<compile_context>
chip_gen: v7x
topology: tpu7x:2x2x1
jax: 0.10.2.dev20260603
libtpu: 0.0.44.dev20260713+nightly
codegen_flags: <defaults>
</compile_context>

<pallas_src>
import functools

import jax
import jax.numpy as jnp
from jax import lax
from jax.experimental import pallas as pl
from jax.experimental.pallas import tpu as pltpu
from jax.experimental.pallas import tpu_sc as plsc

VOCAB_SIZE = 100000
D_DIM = 16
B_DIM = 1024

_INFO = plsc.get_sparse_core_info()
_NC = _INFO.num_cores
_NW = _INFO.num_cores * _INFO.num_subcores
_BPW = B_DIM // _NW

_MESH = plsc.VectorSubcoreMesh(core_axis_name="c", subcore_axis_name="s")


_GCHUNK = 128
_EPW = _BPW * D_DIM
_L = _INFO.num_lanes


@functools.partial(
    pl.kernel,
    mesh=_MESH,
    out_type=jax.ShapeDtypeStruct((D_DIM, B_DIM), jnp.float32),
    scratch_types=[
        pltpu.VMEM((_BPW,), jnp.int32),
        pltpu.VMEM((_EPW,), jnp.int32),
        pltpu.VMEM((_EPW,), jnp.float32),
        pltpu.SemaphoreType.DMA,
    ],
    compiler_params=pltpu.CompilerParams(use_tc_tiling_on_sc=False),
)
def _sc_gather(idx_hbm, tflat_hbm, out_hbm, idx_v, eidx_v, rows_v, sem):
    wid = lax.axis_index("s") * _NC + lax.axis_index("c")
    base = wid * _BPW
    pltpu.sync_copy(idx_hbm.at[pl.ds(base, _BPW)], idx_v)
    for d in range(D_DIM):
        for h in range(_BPW // _L):
            eidx_v[pl.ds(d * _BPW + h * _L, _L)] = (
                idx_v[pl.ds(h * _L, _L)] + d * VOCAB_SIZE
            )
    copies = []
    for k in range(_EPW // _GCHUNK):
        copies.append(
            pltpu.async_copy(
                tflat_hbm.at[eidx_v.at[pl.ds(k * _GCHUNK, _GCHUNK)]],
                rows_v.at[pl.ds(k * _GCHUNK, _GCHUNK)],
                sem,
            )
        )
    for c in copies:
        c.wait()
    for d in range(D_DIM):
        pltpu.sync_copy(
            rows_v.at[pl.ds(d * _BPW, _BPW)],
            out_hbm.at[d, pl.ds(base, _BPW)],
        )


_VB = 2048
_NBLK = (VOCAB_SIZE + _VB - 1) // _VB
_TAIL = VOCAB_SIZE - (_NBLK - 1) * _VB
_K = 6


def _mm_body(wt_ref, embt_ref, out_ref, ring, sems):
    i = pl.program_id(0)
    s = lax.rem(i, _K)

    @pl.when(i >= _K)
    def _wait_prev():
        pltpu.make_async_copy(
            ring.at[s],
            out_ref.at[pl.ds((i - _K) * _VB, _VB), :],
            sems.at[s],
        ).wait()

    ring[s] = lax.dot_general(
        wt_ref[...],
        embt_ref[...],
        dimension_numbers=(((0,), (0,)), ((), ())),
        preferred_element_type=jnp.float32,
    )

    @pl.when(i < _NBLK - 1)
    def _start_full():
        pltpu.make_async_copy(
            ring.at[s],
            out_ref.at[pl.ds(i * _VB, _VB), :],
            sems.at[s],
        ).start()

    @pl.when(i == _NBLK - 1)
    def _start_tail_and_drain():
        pltpu.make_async_copy(
            ring.at[s, : _TAIL, :],
            out_ref.at[pl.ds((_NBLK - 1) * _VB, _TAIL), :],
            sems.at[s],
        ).start()
        for j in range(_K):
            t = _NBLK - _K + j
            if t == _NBLK - 1:
                pltpu.make_async_copy(
                    ring.at[t % _K, : _TAIL, :],
                    out_ref.at[pl.ds(t * _VB, _TAIL), :],
                    sems.at[t % _K],
                ).wait()
            else:
                pltpu.make_async_copy(
                    ring.at[t % _K],
                    out_ref.at[pl.ds(t * _VB, _VB), :],
                    sems.at[t % _K],
                ).wait()


def _project_t(Wt, embt):
    return pl.pallas_call(
        _mm_body,
        grid=(_NBLK,),
        in_specs=[
            pl.BlockSpec((D_DIM, _VB), lambda i: (0, i)),
            pl.BlockSpec((D_DIM, B_DIM), lambda i: (0, 0)),
        ],
        out_specs=pl.BlockSpec(memory_space=pltpu.MemorySpace.HBM),
        out_shape=jax.ShapeDtypeStruct((VOCAB_SIZE, B_DIM), jnp.float32),
        scratch_shapes=[
            pltpu.VMEM((_K, _VB, B_DIM), jnp.float32),
            pltpu.SemaphoreType.DMA((_K,)),
        ],
        compiler_params=pltpu.CompilerParams(
            vmem_limit_bytes=100 * 1024 * 1024,
        ),
    )(Wt, embt)


def kernel(indices, table, W):
    embt = _sc_gather(indices.astype(jnp.int32), table.T.reshape(-1))
    return _project_t(W.T, embt).T

# --- scband reference (transcript-rebuilt; emitter-appended) ---
"""Pipeline reference for scband-word2-vec-58437325029854 (READ-ONLY COPY).

The authoritative reference and input builder live on the scoring server;
editing this copy changes nothing except your own understanding.
"""

import jax, jax.numpy as jnp
import numpy as np

VOCAB = 100000
D_MODEL = 16
BATCH = 1024

def setup_inputs(seed: int = 0) -> dict:
    key = jax.random.key(seed)
    k1, k2, k3 = jax.random.split(key, 3)
    indices = jax.random.randint(k1, (BATCH,), 0, VOCAB, dtype=jnp.int64 if jax.config.jax_enable_x64 else jnp.int32)
    table = jax.random.normal(k2, (VOCAB, D_MODEL), dtype=jnp.float32)  # nn.Embedding weight
    W = jax.random.normal(k3, (VOCAB, D_MODEL), dtype=jnp.float32) * 0.02  # nn.Linear(d_model, vocab, bias=False).weight, shape [vocab, d_model]
    return {"indices": indices, "table": table, "W": W}

def reference(indices, table, W):
    # Core skipgram prediction path: center token -> embedding lookup -> project to vocab logits
    center_emb = jnp.take(table, indices, axis=0)        # [B, d_model] embedding gather
    logits = center_emb @ W.T                            # [B, vocab] linear, no bias
    return logits

if __name__ == "__main__":
    import jax
    _d = setup_inputs()
    print(jax.jit(kernel)(*tuple(_d.values())))

</pallas_src>

<mosaic_0001>
#map = affine_map<(d0, d1) -> (0)>
#map1 = affine_map<(d0, d1) -> (0, 0)>
module attributes {stable_mosaic.version = 14 : i64} {
  func.func @_sc_gather(%arg0: i32, %arg1: i32, %arg2: memref<1024xi32, #tpu.memory_space<hbm>>, %arg3: memref<1600000xf32, #tpu.memory_space<hbm>>, %arg4: memref<16x1024xf32, #tpu.memory_space<hbm>>, %arg5: memref<32xi32, #tpu.memory_space<vmem>>, %arg6: memref<512xi32, #tpu.memory_space<vmem>>, %arg7: memref<512xf32, #tpu.memory_space<vmem>>, %arg8: memref<!tpu.dma_semaphore, #tpu.memory_space<semaphore_mem>>) attributes {dimension_semantics = [#tpu.dimension_semantics<core_parallel>, #tpu.dimension_semantics<subcore_parallel>], iteration_bounds = array<i64: 2, 16>, scalar_prefetch = 0 : i64, scratch_operands = 4 : i64, tpu.core_type = #tpu.core_type<sc_vector_subcore>, window_params = [{transform_indices = #map}, {transform_indices = #map}, {transform_indices = #map1}]} {
    %mul3A = arith.constant 2 : i32
    %mul3A_0 = arith.muli %arg1, %mul3A : i32
    %add3A = arith.addi %mul3A_0, %arg0 : i32
    %mul3A_1 = arith.constant 32 : i32
    %mul3A_2 = arith.muli %add3A, %mul3A_1 : i32
    "tpu.region"() ({
      %run_scoped3A_382 = tpu.sem_alloc : memref<!tpu.dma_semaphore, #tpu.memory_space<semaphore_mem>>
      %dma_start3A_383 = tpu.memref_slice %arg2[%mul3A_2] : memref<1024xi32, #tpu.memory_space<hbm>> -> memref<32xi32, #tpu.memory_space<hbm>>
      %dma_start3A_384 = tpu.memref_slice %arg2[%mul3A_2] : memref<1024xi32, #tpu.memory_space<hbm>> -> memref<32xi32, #tpu.memory_space<hbm>>
      tpu.enqueue_dma source(%dma_start3A_384 : memref<32xi32, #tpu.memory_space<hbm>>) target(%arg5 : memref<32xi32, #tpu.memory_space<vmem>>) target_semaphore(%run_scoped3A_382 : memref<!tpu.dma_semaphore, #tpu.memory_space<semaphore_mem>>)
      %dma_wait3A_385 = tpu.memref_slice %arg2[%mul3A_2] : memref<1024xi32, #tpu.memory_space<hbm>> -> memref<32xi32, #tpu.memory_space<hbm>>
      %dma_wait3A_386 = tpu.memref_slice %arg2[%mul3A_2] : memref<1024xi32, #tpu.memory_space<hbm>> -> memref<32xi32, #tpu.memory_space<hbm>>
      tpu.wait_dma2 semaphore(%run_scoped3A_382 : memref<!tpu.dma_semaphore, #tpu.memory_space<semaphore_mem>>) src(%dma_wait3A_386 : memref<32xi32, #tpu.memory_space<hbm>>) dst(%arg5 : memref<32xi32, #tpu.memory_space<vmem>>)
      tpu.yield
    }) : () -> ()
    %get3A = arith.constant 0 : index
    %get3A_3 = tpu.vector_load %arg5[%get3A] {strides = array<i32>} : memref<32xi32, #tpu.memory_space<vmem>>, vector<16xi32>,
    %get3A_4 = vector.shape_cast %get3A_3 : vector<16xi32> to vector<16xi32>
    %add3A_5 = arith.constant 0 : i32
    %add3A_6 = vector.broadcast %add3A_5 : i32 to vector<16xi32>
    %add3A_7 = arith.addi %get3A_4, %add3A_6 : vector<16xi32>
    %swap3A = arith.constant 0 : index
    %swap3A_8 = tpu.vector_load %arg6[%swap3A] {strides = array<i32>} : memref<512xi32, #tpu.memory_space<vmem>>, vector<16xi32>,
    %swap3A_9 = vector.shape_cast %swap3A_8 : vector<16xi32> to vector<16xi32>
    %swap3A_10 = vector.shape_cast %add3A_7 : vector<16xi32> to vector<16xi32>
    tpu.vector_store %arg6[%swap3A], %swap3A_10 {strides = array<i32>} : memref<512xi32, #tpu.memory_space<vmem>>, vector<16xi32>,
    %get3A_11 = arith.constant 16 : index
    %get3A_12 = tpu.vector_load %arg5[%get3A_11] {strides = array<i32>} : memref<32xi32, #tpu.memory_space<vmem>>, vector<16xi32>,
    %get3A_13 = vector.shape_cast %get3A_12 : vector<16xi32> to vector<16xi32>
    %add3A_14 = arith.constant 0 : i32
    %add3A_15 = vector.broadcast %add3A_14 : i32 to vector<16xi32>
    %add3A_16 = arith.addi %get3A_13, %add3A_15 : vector<16xi32>
    %swap3A_17 = arith.constant 16 : index
    %swap3A_18 = tpu.vector_load %arg6[%swap3A_17] {strides = array<i32>} : memref<512xi32, #tpu.memory_space<vmem>>, vector<16xi32>,
    %swap3A_19 = vector.shape_cast %swap3A_18 : vector<16xi32> to vector<16xi32>
    %swap3A_20 = vector.shape_cast %add3A_16 : vector<16xi32> to vector<16xi32>
    tpu.vector_store %arg6[%swap3A_17], %swap3A_20 {strides = array<i32>} : memref<512xi32, #tpu.memory_space<vmem>>, vector<16xi32>,
    %get3A_21 = arith.constant 0 : index
    %get3A_22 = tpu.vector_load %arg5[%get3A_21] {strides = array<i32>} : memref<32xi32, #tpu.memory_space<vmem>>, vector<16xi32>,
    %get3A_23 = vector.shape_cast %get3A_22 : vector<16xi32> to vector<16xi32>
    %add3A_24 = arith.constant 100000 : i32
    %add3A_25 = vector.broadcast %add3A_24 : i32 to vector<16xi32>
    %add3A_26 = arith.addi %get3A_23, %add3A_25 : vector<16xi32>
    %swap3A_27 = arith.constant 32 : index
    %swap3A_28 = tpu.vector_load %arg6[%swap3A_27] {strides = array<i32>} : memref<512xi32, #tpu.memory_space<vmem>>, vector<16xi32>,
    %swap3A_29 = vector.shape_cast %swap3A_28 : vector<16xi32> to vector<16xi32>
    %swap3A_30 = vector.shape_cast %add3A_26 : vector<16xi32> to vector<16xi32>
    tpu.vector_store %arg6[%swap3A_27], %swap3A_30 {strides = array<i32>} : memref<512xi32, #tpu.memory_space<vmem>>, vector<16xi32>,
    %get3A_31 = arith.constant 16 : index
    %get3A_32 = tpu.vector_load %arg5[%get3A_31] {strides = array<i32>} : memref<32xi32, #tpu.memory_space<vmem>>, vector<16xi32>,
    %get3A_33 = vector.shape_cast %get3A_32 : vector<16xi32> to vector<16xi32>
    %add3A_34 = arith.constant 100000 : i32
    %add3A_35 = vector.broadcast %add3A_34 : i32 to vector<16xi32>
    %add3A_36 = arith.addi %get3A_33, %add3A_35 : vector<16xi32>
    %swap3A_37 = arith.constant 48 : index
    %swap3A_38 = tpu.vector_load %arg6[%swap3A_37] {strides = array<i32>} : memref<512xi32, #tpu.memory_space<vmem>>, vector<16xi32>,
    %swap3A_39 = vector.shape_cast %swap3A_38 : vector<16xi32> to vector<16xi32>
    %swap3A_40 = vector.shape_cast %add3A_36 : vector<16xi32> to vector<16xi32>
    tpu.vector_store %arg6[%swap3A_37], %swap3A_40 {strides = array<i32>} : memref<512xi32, #tpu.memory_space<vmem>>, vector<16xi32>,
    %get3A_41 = arith.constant 0 : index
    %get3A_42 = tpu.vector_load %arg5[%get3A_41] {strides = array<i32>} : memref<32xi32, #tpu.memory_space<vmem>>, vector<16xi32>,
    %get3A_43 = vector.shape_cast %get3A_42 : vector<16xi32> to vector<16xi32>
    %add3A_44 = arith.constant 200000 : i32
    %add3A_45 = vector.broadcast %add3A_44 : i32 to vector<16xi32>
    %add3A_46 = arith.addi %get3A_43, %add3A_45 : vector<16xi32>
    %swap3A_47 = arith.constant 64 : index
    %swap3A_48 = tpu.vector_load %arg6[%swap3A_47] {strides = array<i32>} : memref<512xi32, #tpu.memory_space<vmem>>, vector<16xi32>,
    %swap3A_49 = vector.shape_cast %swap3A_48 : vector<16xi32> to vector<16xi32>
    %swap3A_50 = vector.shape_cast %add3A_46 : vector<16xi32> to vector<16xi32>
    tpu.vector_store %arg6[%swap3A_47], %swap3A_50 {strides = array<i32>} : memref<512xi32, #tpu.memory_space<vmem>>, vector<16xi32>,
    %get3A_51 = arith.constant 16 : index
    %get3A_52 = tpu.vector_load %arg5[%get3A_51] {strides = array<i32>} : memref<32xi32, #tpu.memory_space<vmem>>, vector<16xi32>,
    %get3A_53 = vector.shape_cast %get3A_52 : vector<16xi32> to vector<16xi32>
    %add3A_54 = arith.constant 200000 : i32
    %add3A_55 = vector.broadcast %add3A_54 : i32 to vector<16xi32>
    %add3A_56 = arith.addi %get3A_53, %add3A_55 : vector<16xi32>
    %swap3A_57 = arith.constant 80 : index
    %swap3A_58 = tpu.vector_load %arg6[%swap3A_57] {strides = array<i32>} : memref<512xi32, #tpu.memory_space<vmem>>, vector<16xi32>,
    %swap3A_59 = vector.shape_cast %swap3A_58 : vector<16xi32> to vector<16xi32>
    %swap3A_60 = vector.shape_cast %add3A_56 : vector<16xi32> to vector<16xi32>
    tpu.vector_store %arg6[%swap3A_57], %swap3A_60 {strides = array<i32>} : memref<512xi32, #tpu.memory_space<vmem>>, vector<16xi32>,
    %get3A_61 = arith.constant 0 : index
    %get3A_62 = tpu.vector_load %arg5[%get3A_61] {strides = array<i32>} : memref<32xi32, #tpu.memory_space<vmem>>, vector<16xi32>,
    %get3A_63 = vector.shape_cast %get3A_62 : vector<16xi32> to vector<16xi32>
    %add3A_64 = arith.constant 300000 : i32
    %add3A_65 = vector.broadcast %add3A_64 : i32 to vector<16xi32>
    %add3A_66 = arith.addi %get3A_63, %add3A_65 : vector<16xi32>
    %swap3A_67 = arith.constant 96 : index
    %swap3A_68 = tpu.vector_load %arg6[%swap3A_67] {strides = array<i32>} : memref<512xi32, #tpu.memory_space<vmem>>, vector<16xi32>,
    %swap3A_69 = vector.shape_cast %swap3A_68 : vector<16xi32> to vector<16xi32>
    %swap3A_70 = vector.shape_cast %add3A_66 : vector<16xi32> to vector<16xi32>
    tpu.vector_store %arg6[%swap3A_67], %swap3A_70 {strides = array<i32>} : memref<512xi32, #tpu.memory_space<vmem>>, vector<16xi32>,
    %get3A_71 = arith.constant 16 : index
    %get3A_72 = tpu.vector_load %arg5[%get3A_71] {strides = array<i32>} : memref<32xi32, #tpu.memory_space<vmem>>, vector<16xi32>,
    %get3A_73 = vector.shape_cast %get3A_72 : vector<16xi32> to vector<16xi32>
    %add3A_74 = arith.constant 300000 : i32
    %add3A_75 = vector.broadcast %add3A_74 : i32 to vector<16xi32>
    %add3A_76 = arith.addi %get3A_73, %add3A_75 : vector<16xi32>
    %swap3A_77 = arith.constant 112 : index
    %swap3A_78 = tpu.vector_load %arg6[%swap3A_77] {strides = array<i32>} : memref<512xi32, #tpu.memory_space<vmem>>, vector<16xi32>,
    %swap3A_79 = vector.shape_cast %swap3A_78 : vector<16xi32> to vector<16xi32>
    %swap3A_80 = vector.shape_cast %add3A_76 : vector<16xi32> to vector<16xi32>
    tpu.vector_store %arg6[%swap3A_77], %swap3A_80 {strides = array<i32>} : memref<512xi32, #tpu.memory_space<vmem>>, vector<16xi32>,
    %get3A_81 = arith.constant 0 : index
    %get3A_82 = tpu.vector_load %arg5[%get3A_81] {strides = array<i32>} : memref<32xi32, #tpu.memory_space<vmem>>, vector<16xi32>,
    %get3A_83 = vector.shape_cast %get3A_82 : vector<16xi32> to vector<16xi32>
    %add3A_84 = arith.constant 400000 : i32
    %add3A_85 = vector.broadcast %add3A_84 : i32 to vector<16xi32>
    %add3A_86 = arith.addi %get3A_83, %add3A_85 : vector<16xi32>
    %swap3A_87 = arith.constant 128 : index
    %swap3A_88 = tpu.vector_load %arg6[%swap3A_87] {strides = array<i32>} : memref<512xi32, #tpu.memory_space<vmem>>, vector<16xi32>,
    %swap3A_89 = vector.shape_cast %swap3A_88 : vector<16xi32> to vector<16xi32>
    %swap3A_90 = vector.shape_cast %add3A_86 : vector<16xi32> to vector<16xi32>
    tpu.vector_store %arg6[%swap3A_87], %swap3A_90 {strides = array<i32>} : memref<512xi32, #tpu.memory_space<vmem>>, vector<16xi32>,
    %get3A_91 = arith.constant 16 : index
    %get3A_92 = tpu.vector_load %arg5[%get3A_91] {strides = array<i32>} : memref<32xi32, #tpu.memory_space<vmem>>, vector<16xi32>,
    %get3A_93 = vector.shape_cast %get3A_92 : vector<16xi32> to vector<16xi32>
    %add3A_94 = arith.constant 400000 : i32
    %add3A_95 = vector.broadcast %add3A_94 : i32 to vector<16xi32>
    %add3A_96 = arith.addi %get3A_93, %add3A_95 : vector<16xi32>
    %swap3A_97 = arith.constant 144 : index
    %swap3A_98 = tpu.vector_load %arg6[%swap3A_97] {strides = array<i32>} : memref<512xi32, #tpu.memory_space<vmem>>, vector<16xi32>,
    %swap3A_99 = vector.shape_cast %swap3A_98 : vector<16xi32> to vector<16xi32>
    %swap3A_100 = vector.shape_cast %add3A_96 : vector<16xi32> to vector<16xi32>
    tpu.vector_store %arg6[%swap3A_97], %swap3A_100 {strides = array<i32>} : memref<512xi32, #tpu.memory_space<vmem>>, vector<16xi32>,
    %get3A_101 = arith.constant 0 : index
    %get3A_102 = tpu.vector_load %arg5[%get3A_101] {strides = array<i32>} : memref<32xi32, #tpu.memory_space<vmem>>, vector<16xi32>,
    %get3A_103 = vector.shape_cast %get3A_102 : vector<16xi32> to vector<16xi32>
    %add3A_104 = arith.constant 500000 : i32
    %add3A_105 = vector.broadcast %add3A_104 : i32 to vector<16xi32>
    %add3A_106 = arith.addi %get3A_103, %add3A_105 : vector<16xi32>
    %swap3A_107 = arith.constant 160 : index
    %swap3A_108 = tpu.vector_load %arg6[%swap3A_107] {strides = array<i32>} : memref<512xi32, #tpu.memory_space<vmem>>, vector<16xi32>,
    %swap3A_109 = vector.shape_cast %swap3A_108 : vector<16xi32> to vector<16xi32>
    %swap3A_110 = vector.shape_cast %add3A_106 : vector<16xi32> to vector<16xi32>
    tpu.vector_store %arg6[%swap3A_107], %swap3A_110 {strides = array<i32>} : memref<512xi32, #tpu.memory_space<vmem>>, vector<16xi32>,
    %get3A_111 = arith.constant 16 : index
    %get3A_112 = tpu.vector_load %arg5[%get3A_111] {strides = array<i32>} : memref<32xi32, #tpu.memory_space<vmem>>, vector<16xi32>,
    %get3A_113 = vector.shape_cast %get3A_112 : vector<16xi32> to vector<16xi32>
    %add3A_114 = arith.constant 500000 : i32
    %add3A_115 = vector.broadcast %add3A_114 : i32 to vector<16xi32>
    %add3A_116 = arith.addi %get3A_113, %add3A_115 : vector<16xi32>
    %swap3A_117 = arith.constant 176 : index
    %swap3A_118 = tpu.vector_load %arg6[%swap3A_117] {strides = array<i32>} : memref<512xi32, #tpu.memory_space<vmem>>, vector<16xi32>,
    %swap3A_119 = vector.shape_cast %swap3A_118 : vector<16xi32> to vector<16xi32>
    %swap3A_120 = vector.shape_cast %add3A_116 : vector<16xi32> to vector<16xi32>
    tpu.vector_store %arg6[%swap3A_117], %swap3A_120 {strides = array<i32>} : memref<512xi32, #tpu.memory_space<vmem>>, vector<16xi32>,
    %get3A_121 = arith.constant 0 : index
    %get3A_122 = tpu.vector_load %arg5[%get3A_121] {strides = array<i32>} : memref<32xi32, #tpu.memory_space<vmem>>, vector<16xi32>,
    %get3A_123 = vector.shape_cast %get3A_122 : vector<16xi32> to vector<16xi32>
    %add3A_124 = arith.constant 600000 : i32
    %add3A_125 = vector.broadcast %add3A_124 : i32 to vector<16xi32>
    %add3A_126 = arith.addi %get3A_123, %add3A_125 : vector<16xi32>
    %swap3A_127 = arith.constant 192 : index
    %swap3A_128 = tpu.vector_load %arg6[%swap3A_127] {strides = array<i32>} : memref<512xi32, #tpu.memory_space<vmem>>, vector<16xi32>,
    %swap3A_129 = vector.shape_cast %swap3A_128 : vector<16xi32> to vector<16xi32>
    %swap3A_130 = vector.shape_cast %add3A_126 : vector<16xi32> to vector<16xi32>
    tpu.vector_store %arg6[%swap3A_127], %swap3A_130 {strides = array<i32>} : memref<512xi32, #tpu.memory_space<vmem>>, vector<16xi32>,
    %get3A_131 = arith.constant 16 : index
    %get3A_132 = tpu.vector_load %arg5[%get3A_131] {strides = array<i32>} : memref<32xi32, #tpu.memory_space<vmem>>, vector<16xi32>,
    %get3A_133 = vector.shape_cast %get3A_132 : vector<16xi32> to vector<16xi32>
    %add3A_134 = arith.constant 600000 : i32
    %add3A_135 = vector.broadcast %add3A_134 : i32 to vector<16xi32>
    %add3A_136 = arith.addi %get3A_133, %add3A_135 : vector<16xi32>
    %swap3A_137 = arith.constant 208 : index
    %swap3A_138 = tpu.vector_load %arg6[%swap3A_137] {strides = array<i32>} : memref<512xi32, #tpu.memory_space<vmem>>, vector<16xi32>,
    %swap3A_139 = vector.shape_cast %swap3A_138 : vector<16xi32> to vector<16xi32>
    %swap3A_140 = vector.shape_cast %add3A_136 : vector<16xi32> to vector<16xi32>
    tpu.vector_store %arg6[%swap3A_137], %swap3A_140 {strides = array<i32>} : memref<512xi32, #tpu.memory_space<vmem>>, vector<16xi32>,
    %get3A_141 = arith.constant 0 : index
    %get3A_142 = tpu.vector_load %arg5[%get3A_141] {strides = array<i32>} : memref<32xi32, #tpu.memory_space<vmem>>, vector<16xi32>,
    %get3A_143 = vector.shape_cast %get3A_142 : vector<16xi32> to vector<16xi32>
    %add3A_144 = arith.constant 700000 : i32
    %add3A_145 = vector.broadcast %add3A_144 : i32 to vector<16xi32>
    %add3A_146 = arith.addi %get3A_143, %add3A_145 : vector<16xi32>
    %swap3A_147 = arith.constant 224 : index
    %swap3A_148 = tpu.vector_load %arg6[%swap3A_147] {strides = array<i32>} : memref<512xi32, #tpu.memory_space<vmem>>, vector<16xi32>,
    %swap3A_149 = vector.shape_cast %swap3A_148 : vector<16xi32> to vector<16xi32>
    %swap3A_150 = vector.shape_cast %add3A_146 : vector<16xi32> to vector<16xi32>
    tpu.vector_store %arg6[%swap3A_147], %swap3A_150 {strides = array<i32>} : memref<512xi32, #tpu.memory_space<vmem>>, vector<16xi32>,
    %get3A_151 = arith.constant 16 : index
    %get3A_152 = tpu.vector_load %arg5[%get3A_151] {strides = array<i32>} : memref<32xi32, #tpu.memory_space<vmem>>, vector<16xi32>,
    %get3A_153 = vector.shape_cast %get3A_152 : vector<16xi32> to vector<16xi32>
    %add3A_154 = arith.constant 700000 : i32
    %add3A_155 = vector.broadcast %add3A_154 : i32 to vector<16xi32>
    %add3A_156 = arith.addi %get3A_153, %add3A_155 : vector<16xi32>
    %swap3A_157 = arith.constant 240 : index
    %swap3A_158 = tpu.vector_load %arg6[%swap3A_157] {strides = array<i32>} : memref<512xi32, #tpu.memory_space<vmem>>, vector<16xi32>,
    %swap3A_159 = vector.shape_cast %swap3A_158 : vector<16xi32> to vector<16xi32>
    %swap3A_160 = vector.shape_cast %add3A_156 : vector<16xi32> to vector<16xi32>
    tpu.vector_store %arg6[%swap3A_157], %swap3A_160 {strides = array<i32>} : memref<512xi32, #tpu.memory_space<vmem>>, vector<16xi32>,
    %get3A_161 = arith.constant 0 : index
    %get3A_162 = tpu.vector_load %arg5[%get3A_161] {strides = array<i32>} : memref<32xi32, #tpu.memory_space<vmem>>, vector<16xi32>,
    %get3A_163 = vector.shape_cast %get3A_162 : vector<16xi32> to vector<16xi32>
    %add3A_164 = arith.constant 800000 : i32
    %add3A_165 = vector.broadcast %add3A_164 : i32 to vector<16xi32>
    %add3A_166 = arith.addi %get3A_163, %add3A_165 : vector<16xi32>
    %swap3A_167 = arith.constant 256 : index
    %swap3A_168 = tpu.vector_load %arg6[%swap3A_167] {strides = array<i32>} : memref<512xi32, #tpu.memory_space<vmem>>, vector<16xi32>,
    %swap3A_169 = vector.shape_cast %swap3A_168 : vector<16xi32> to vector<16xi32>
    %swap3A_170 = vector.shape_cast %add3A_166 : vector<16xi32> to vector<16xi32>
    tpu.vector_store %arg6[%swap3A_167], %swap3A_170 {strides = array<i32>} : memref<512xi32, #tpu.memory_space<vmem>>, vector<16xi32>,
    %get3A_171 = arith.constant 16 : index
    %get3A_172 = tpu.vector_load %arg5[%get3A_171] {strides = array<i32>} : memref<32xi32, #tpu.memory_space<vmem>>, vector<16xi32>,
    %get3A_173 = vector.shape_cast %get3A_172 : vector<16xi32> to vector<16xi32>
    %add3A_174 = arith.constant 800000 : i32
    %add3A_175 = vector.broadcast %add3A_174 : i32 to vector<16xi32>
    %add3A_176 = arith.addi %get3A_173, %add3A_175 : vector<16xi32>
    %swap3A_177 = arith.constant 272 : index
    %swap3A_178 = tpu.vector_load %arg6[%swap3A_177] {strides = array<i32>} : memref<512xi32, #tpu.memory_space<vmem>>, vector<16xi32>,
    %swap3A_179 = vector.shape_cast %swap3A_178 : vector<16xi32> to vector<16xi32>
    %swap3A_180 = vector.shape_cast %add3A_176 : vector<16xi32> to vector<16xi32>
    tpu.vector_store %arg6[%swap3A_177], %swap3A_180 {strides = array<i32>} : memref<512xi32, #tpu.memory_space<vmem>>, vector<16xi32>,
    %get3A_181 = arith.constant 0 : index
    %get3A_182 = tpu.vector_load %arg5[%get3A_181] {strides = array<i32>} : memref<32xi32, #tpu.memory_space<vmem>>, vector<16xi32>,
    %get3A_183 = vector.shape_cast %get3A_182 : vector<16xi32> to vector<16xi32>
    %add3A_184 = arith.constant 900000 : i32
    %add3A_185 = vector.broadcast %add3A_184 : i32 to vector<16xi32>
    %add3A_186 = arith.addi %get3A_183, %add3A_185 : vector<16xi32>
    %swap3A_187 = arith.constant 288 : index
    %swap3A_188 = tpu.vector_load %arg6[%swap3A_187] {strides = array<i32>} : memref<512xi32, #tpu.memory_space<vmem>>, vector<16xi32>,
    %swap3A_189 = vector.shape_cast %swap3A_188 : vector<16xi32> to vector<16xi32>
    %swap3A_190 = vector.shape_cast %add3A_186 : vector<16xi32> to vector<16xi32>
    tpu.vector_store %arg6[%swap3A_187], %swap3A_190 {strides = array<i32>} : memref<512xi32, #tpu.memory_space<vmem>>, vector<16xi32>,
    %get3A_191 = arith.constant 16 : index
    %get3A_192 = tpu.vector_load %arg5[%get3A_191] {strides = array<i32>} : memref<32xi32, #tpu.memory_space<vmem>>, vector<16xi32>,
    %get3A_193 = vector.shape_cast %get3A_192 : vector<16xi32> to vector<16xi32>
    %add3A_194 = arith.constant 900000 : i32
    %add3A_195 = vector.broadcast %add3A_194 : i32 to vector<16xi32>
    %add3A_196 = arith.addi %get3A_193, %add3A_195 : vector<16xi32>
    %swap3A_197 = arith.constant 304 : index
    %swap3A_198 = tpu.vector_load %arg6[%swap3A_197] {strides = array<i32>} : memref<512xi32, #tpu.memory_space<vmem>>, vector<16xi32>,
    %swap3A_199 = vector.shape_cast %swap3A_198 : vector<16xi32> to vector<16xi32>
    %swap3A_200 = vector.shape_cast %add3A_196 : vector<16xi32> to vector<16xi32>
    tpu.vector_store %arg6[%swap3A_197], %swap3A_200 {strides = array<i32>} : memref<512xi32, #tpu.memory_space<vmem>>, vector<16xi32>,
    %get3A_201 = arith.constant 0 : index
    %get3A_202 = tpu.vector_load %arg5[%get3A_201] {strides = array<i32>} : memref<32xi32, #tpu.memory_space<vmem>>, vector<16xi32>,
    %get3A_203 = vector.shape_cast %get3A_202 : vector<16xi32> to vector<16xi32>
    %add3A_204 = arith.constant 1000000 : i32
    %add3A_205 = vector.broadcast %add3A_204 : i32 to vector<16xi32>
    %add3A_206 = arith.addi %get3A_203, %add3A_205 : vector<16xi32>
    %swap3A_207 = arith.constant 320 : index
    %swap3A_208 = tpu.vector_load %arg6[%swap3A_207] {strides = array<i32>} : memref<512xi32, #tpu.memory_space<vmem>>, vector<16xi32>,
    %swap3A_209 = vector.shape_cast %swap3A_208 : vector<16xi32> to vector<16xi32>
    %swap3A_210 = vector.shape_cast %add3A_206 : vector<16xi32> to vector<16xi32>
    tpu.vector_store %arg6[%swap3A_207], %swap3A_210 {strides = array<i32>} : memref<512xi32, #tpu.memory_space<vmem>>, vector<16xi32>,
    %get3A_211 = arith.constant 16 : index
    %get3A_212 = tpu.vector_load %arg5[%get3A_211] {strides = array<i32>} : memref<32xi32, #tpu.memory_space<vmem>>, vector<16xi32>,
    %get3A_213 = vector.shape_cast %get3A_212 : vector<16xi32> to vector<16xi32>
    %add3A_214 = arith.constant 1000000 : i32
    %add3A_215 = vector.broadcast %add3A_214 : i32 to vector<16xi32>
    %add3A_216 = arith.addi %get3A_213, %add3A_215 : vector<16xi32>
    %swap3A_217 = arith.constant 336 : index
    %swap3A_218 = tpu.vector_load %arg6[%swap3A_217] {strides = array<i32>} : memref<512xi32, #tpu.memory_space<vmem>>, vector<16xi32>,
    %swap3A_219 = vector.shape_cast %swap3A_218 : vector<16xi32> to vector<16xi32>
    %swap3A_220 = vector.shape_cast %add3A_216 : vector<16xi32> to vector<16xi32>
    tpu.vector_store %arg6[%swap3A_217], %swap3A_220 {strides = array<i32>} : memref<512xi32, #tpu.memory_space<vmem>>, vector<16xi32>,
    %get3A_221 = arith.constant 0 : index
    %get3A_222 = tpu.vector_load %arg5[%get3A_221] {strides = array<i32>} : memref<32xi32, #tpu.memory_space<vmem>>, vector<16xi32>,
    %get3A_223 = vector.shape_cast %get3A_222 : vector<16xi32> to vector<16xi32>
    %add3A_224 = arith.constant 1100000 : i32
    %add3A_225 = vector.broadcast %add3A_224 : i32 to vector<16xi32>
    %add3A_226 = arith.addi %get3A_223, %add3A_225 : vector<16xi32>
    %swap3A_227 = arith.constant 352 : index
    %swap3A_228 = tpu.vector_load %arg6[%swap3A_227] {strides = array<i32>} : memref<512xi32, #tpu.memory_space<vmem>>, vector<16xi32>,
    %swap3A_229 = vector.shape_cast %swap3A_228 : vector<16xi32> to vector<16xi32>
    %swap3A_230 = vector.shape_cast %add3A_226 : vector<16xi32> to vector<16xi32>
    tpu.vector_store %arg6[%swap3A_227], %swap3A_230 {strides = array<i32>} : memref<512xi32, #tpu.memory_space<vmem>>, vector<16xi32>,
    %get3A_231 = arith.constant 16 : index
    %get3A_232 = tpu.vector_load %arg5[%get3A_231] {strides = array<i32>} : memref<32xi32, #tpu.memory_space<vmem>>, vector<16xi32>,
    %get3A_233 = vector.shape_cast %get3A_232 : vector<16xi32> to vector<16xi32>
    %add3A_234 = arith.constant 1100000 : i32
    %add3A_235 = vector.broadcast %add3A_234 : i32 to vector<16xi32>
    %add3A_236 = arith.addi %get3A_233, %add3A_235 : vector<16xi32>
    %swap3A_237 = arith.constant 368 : index
    %swap3A_238 = tpu.vector_load %arg6[%swap3A_237] {strides = array<i32>} : memref<512xi32, #tpu.memory_space<vmem>>, vector<16xi32>,
    %swap3A_239 = vector.shape_cast %swap3A_238 : vector<16xi32> to vector<16xi32>
    %swap3A_240 = vector.shape_cast %add3A_236 : vector<16xi32> to vector<16xi32>
    tpu.vector_store %arg6[%swap3A_237], %swap3A_240 {strides = array<i32>} : memref<512xi32, #tpu.memory_space<vmem>>, vector<16xi32>,
    %get3A_241 = arith.constant 0 : index
    %get3A_242 = tpu.vector_load %arg5[%get3A_241] {strides = array<i32>} : memref<32xi32, #tpu.memory_space<vmem>>, vector<16xi32>,
    %get3A_243 = vector.shape_cast %get3A_242 : vector<16xi32> to vector<16xi32>
    %add3A_244 = arith.constant 1200000 : i32
    %add3A_245 = vector.broadcast %add3A_244 : i32 to vector<16xi32>
    %add3A_246 = arith.addi %get3A_243, %add3A_245 : vector<16xi32>
    %swap3A_247 = arith.constant 384 : index
    %swap3A_248 = tpu.vector_load %arg6[%swap3A_247] {strides = array<i32>} : memref<512xi32, #tpu.memory_space<vmem>>, vector<16xi32>,
    %swap3A_249 = vector.shape_cast %swap3A_248 : vector<16xi32> to vector<16xi32>
    %swap3A_250 = vector.shape_cast %add3A_246 : vector<16xi32> to vector<16xi32>
    tpu.vector_store %arg6[%swap3A_247], %swap3A_250 {strides = array<i32>} : memref<512xi32, #tpu.memory_space<vmem>>, vector<16xi32>,
    %get3A_251 = arith.constant 16 : index
    %get3A_252 = tpu.vector_load %arg5[%get3A_251] {strides = array<i32>} : memref<32xi32, #tpu.memory_space<vmem>>, vector<16xi32>,
    %get3A_253 = vector.shape_cast %get3A_252 : vector<16xi32> to vector<16xi32>
    %add3A_254 = arith.constant 1200000 : i32
    %add3A_255 = vector.broadcast %add3A_254 : i32 to vector<16xi32>
    %add3A_256 = arith.addi %get3A_253, %add3A_255 : vector<16xi32>
    %swap3A_257 = arith.constant 400 : index
    %swap3A_258 = tpu.vector_load %arg6[%swap3A_257] {strides = array<i32>} : memref<512xi32, #tpu.memory_space<vmem>>, vector<16xi32>,
    %swap3A_259 = vector.shape_cast %swap3A_258 : vector<16xi32> to vector<16xi32>
    %swap3A_260 = vector.shape_cast %add3A_256 : vector<16xi32> to vector<16xi32>
    tpu.vector_store %arg6[%swap3A_257], %swap3A_260 {strides = array<i32>} : memref<512xi32, #tpu.memory_space<vmem>>, vector<16xi32>,
    %get3A_261 = arith.constant 0 : index
    %get3A_262 = tpu.vector_load %arg5[%get3A_261] {strides = array<i32>} : memref<32xi32, #tpu.memory_space<vmem>>, vector<16xi32>,
    %get3A_263 = vector.shape_cast %get3A_262 : vector<16xi32> to vector<16xi32>
    %add3A_264 = arith.constant 1300000 : i32
    %add3A_265 = vector.broadcast %add3A_264 : i32 to vector<16xi32>
    %add3A_266 = arith.addi %get3A_263, %add3A_265 : vector<16xi32>
    %swap3A_267 = arith.constant 416 : index
    %swap3A_268 = tpu.vector_load %arg6[%swap3A_267] {strides = array<i32>} : memref<512xi32, #tpu.memory_space<vmem>>, vector<16xi32>,
    %swap3A_269 = vector.shape_cast %swap3A_268 : vector<16xi32> to vector<16xi32>
    %swap3A_270 = vector.shape_cast %add3A_266 : vector<16xi32> to vector<16xi32>
    tpu.vector_store %arg6[%swap3A_267], %swap3A_270 {strides = array<i32>} : memref<512xi32, #tpu.memory_space<vmem>>, vector<16xi32>,
    %get3A_271 = arith.constant 16 : index
    %get3A_272 = tpu.vector_load %arg5[%get3A_271] {strides = array<i32>} : memref<32xi32, #tpu.memory_space<vmem>>, vector<16xi32>,
    %get3A_273 = vector.shape_cast %get3A_272 : vector<16xi32> to vector<16xi32>
    %add3A_274 = arith.constant 1300000 : i32
    %add3A_275 = vector.broadcast %add3A_274 : i32 to vector<16xi32>
    %add3A_276 = arith.addi %get3A_273, %add3A_275 : vector<16xi32>
    %swap3A_277 = arith.constant 432 : index
    %swap3A_278 = tpu.vector_load %arg6[%swap3A_277] {strides = array<i32>} : memref<512xi32, #tpu.memory_space<vmem>>, vector<16xi32>,
    %swap3A_279 = vector.shape_cast %swap3A_278 : vector<16xi32> to vector<16xi32>
    %swap3A_280 = vector.shape_cast %add3A_276 : vector<16xi32> to vector<16xi32>
    tpu.vector_store %arg6[%swap3A_277], %swap3A_280 {strides = array<i32>} : memref<512xi32, #tpu.memory_space<vmem>>, vector<16xi32>,
    %get3A_281 = arith.constant 0 : index
    %get3A_282 = tpu.vector_load %arg5[%get3A_281] {strides = array<i32>} : memref<32xi32, #tpu.memory_space<vmem>>, vector<16xi32>,
    %get3A_283 = vector.shape_cast %get3A_282 : vector<16xi32> to vector<16xi32>
    %add3A_284 = arith.constant 1400000 : i32
    %add3A_285 = vector.broadcast %add3A_284 : i32 to vector<16xi32>
    %add3A_286 = arith.addi %get3A_283, %add3A_285 : vector<16xi32>
    %swap3A_287 = arith.constant 448 : index
    %swap3A_288 = tpu.vector_load %arg6[%swap3A_287] {strides = array<i32>} : memref<512xi32, #tpu.memory_space<vmem>>, vector<16xi32>,
    %swap3A_289 = vector.shape_cast %swap3A_288 : vector<16xi32> to vector<16xi32>
    %swap3A_290 = vector.shape_cast %add3A_286 : vector<16xi32> to vector<16xi32>
    tpu.vector_store %arg6[%swap3A_287], %swap3A_290 {strides = array<i32>} : memref<512xi32, #tpu.memory_space<vmem>>, vector<16xi32>,
    %get3A_291 = arith.constant 16 : index
    %get3A_292 = tpu.vector_load %arg5[%get3A_291] {strides = array<i32>} : memref<32xi32, #tpu.memory_space<vmem>>, vector<16xi32>,
    %get3A_293 = vector.shape_cast %get3A_292 : vector<16xi32> to vector<16xi32>
    %add3A_294 = arith.constant 1400000 : i32
    %add3A_295 = vector.broadcast %add3A_294 : i32 to vector<16xi32>
    %add3A_296 = arith.addi %get3A_293, %add3A_295 : vector<16xi32>
    %swap3A_297 = arith.constant 464 : index
    %swap3A_298 = tpu.vector_load %arg6[%swap3A_297] {strides = array<i32>} : memref<512xi32, #tpu.memory_space<vmem>>, vector<16xi32>,
    %swap3A_299 = vector.shape_cast %swap3A_298 : vector<16xi32> to vector<16xi32>
    %swap3A_300 = vector.shape_cast %add3A_296 : vector<16xi32> to vector<16xi32>
    tpu.vector_store %arg6[%swap3A_297], %swap3A_300 {strides = array<i32>} : memref<512xi32, #tpu.memory_space<vmem>>, vector<16xi32>,
    %get3A_301 = arith.constant 0 : index
    %get3A_302 = tpu.vector_load %arg5[%get3A_301] {strides = array<i32>} : memref<32xi32, #tpu.memory_space<vmem>>, vector<16xi32>,
    %get3A_303 = vector.shape_cast %get3A_302 : vector<16xi32> to vector<16xi32>
    %add3A_304 = arith.constant 1500000 : i32
    %add3A_305 = vector.broadcast %add3A_304 : i32 to vector<16xi32>
    %add3A_306 = arith.addi %get3A_303, %add3A_305 : vector<16xi32>
    %swap3A_307 = arith.constant 480 : index
    %swap3A_308 = tpu.vector_load %arg6[%swap3A_307] {strides = array<i32>} : memref<512xi32, #tpu.memory_space<vmem>>, vector<16xi32>,
    %swap3A_309 = vector.shape_cast %swap3A_308 : vector<16xi32> to vector<16xi32>
    %swap3A_310 = vector.shape_cast %add3A_306 : vector<16xi32> to vector<16xi32>
    tpu.vector_store %arg6[%swap3A_307], %swap3A_310 {strides = array<i32>} : memref<512xi32, #tpu.memory_space<vmem>>, vector<16xi32>,
    %get3A_311 = arith.constant 16 : index
    %get3A_312 = tpu.vector_load %arg5[%get3A_311] {strides = array<i32>} : memref<32xi32, #tpu.memory_space<vmem>>, vector<16xi32>,
    %get3A_313 = vector.shape_cast %get3A_312 : vector<16xi32> to vector<16xi32>
    %add3A_314 = arith.constant 1500000 : i32
    %add3A_315 = vector.broadcast %add3A_314 : i32 to vector<16xi32>
    %add3A_316 = arith.addi %get3A_313, %add3A_315 : vector<16xi32>
    %swap3A_317 = arith.constant 496 : index
    %swap3A_318 = tpu.vector_load %arg6[%swap3A_317] {strides = array<i32>} : memref<512xi32, #tpu.memory_space<vmem>>, vector<16xi32>,
    %swap3A_319 = vector.shape_cast %swap3A_318 : vector<16xi32> to vector<16xi32>
    %swap3A_320 = vector.shape_cast %add3A_316 : vector<16xi32> to vector<16xi32>
    tpu.vector_store %arg6[%swap3A_317], %swap3A_320 {strides = array<i32>} : memref<512xi32, #tpu.memory_space<vmem>>, vector<16xi32>,
    %dma_start3A = arith.constant 0 : i32
    %dma_start3A_321 = tpu.memref_slice %arg7[%dma_start3A] : memref<512xf32, #tpu.memory_space<vmem>> -> memref<128xf32, #tpu.memory_space<vmem>>
    %dma_start3A_322 = arith.constant 0 : i32
    %dma_start3A_323 = tpu.memref_slice %arg6[%dma_start3A_322] : memref<512xi32, #tpu.memory_space<vmem>> -> memref<128xi32, #tpu.memory_space<vmem>>
    %dma_start3A_324 = arith.constant 0 : i32
    %dma_start3A_325 = tpu.memref_slice %arg3[%dma_start3A_324] : memref<1600000xf32, #tpu.memory_space<hbm>> -> memref<1600000xf32, #tpu.memory_space<hbm>>
    tpu.enqueue_indirect_dma source(%dma_start3A_325 : memref<1600000xf32, #tpu.memory_space<hbm>>) target(%dma_start3A_321 : memref<128xf32, #tpu.memory_space<vmem>>) offsets(%dma_start3A_323 : memref<128xi32, #tpu.memory_space<vmem>>) semaphore(%arg8 : memref<!tpu.dma_semaphore, #tpu.memory_space<semaphore_mem>>)
    %dma_start3A_326 = arith.constant 128 : i32
    %dma_start3A_327 = tpu.memref_slice %arg7[%dma_start3A_326] : memref<512xf32, #tpu.memory_space<vmem>> -> memref<128xf32, #tpu.memory_space<vmem>>
    %dma_start3A_328 = arith.constant 128 : i32
    %dma_start3A_329 = tpu.memref_slice %arg6[%dma_start3A_328] : memref<512xi32, #tpu.memory_space<vmem>> -> memref<128xi32, #tpu.memory_space<vmem>>
    %dma_start3A_330 = arith.constant 0 : i32
    %dma_start3A_331 = tpu.memref_slice %arg3[%dma_start3A_330] : memref<1600000xf32, #tpu.memory_space<hbm>> -> memref<1600000xf32, #tpu.memory_space<hbm>>
    tpu.enqueue_indirect_dma source(%dma_start3A_331 : memref<1600000xf32, #tpu.memory_space<hbm>>) target(%dma_start3A_327 : memref<128xf32, #tpu.memory_space<vmem>>) offsets(%dma_start3A_329 : memref<128xi32, #tpu.memory_space<vmem>>) semaphore(%arg8 : memref<!tpu.dma_semaphore, #tpu.memory_space<semaphore_mem>>)
    %dma_start3A_332 = arith.constant 256 : i32
    %dma_start3A_333 = tpu.memref_slice %arg7[%dma_start3A_332] : memref<512xf32, #tpu.memory_space<vmem>> -> memref<128xf32, #tpu.memory_space<vmem>>
    %dma_start3A_334 = arith.constant 256 : i32
    %dma_start3A_335 = tpu.memref_slice %arg6[%dma_start3A_334] : memref<512xi32, #tpu.memory_space<vmem>> -> memref<128xi32, #tpu.memory_space<vmem>>
    %dma_start3A_336 = arith.constant 0 : i32
    %dma_start3A_337 = tpu.memref_slice %arg3[%dma_start3A_336] : memref<1600000xf32, #tpu.memory_space<hbm>> -> memref<1600000xf32, #tpu.memory_space<hbm>>
    tpu.enqueue_indirect_dma source(%dma_start3A_337 : memref<1600000xf32, #tpu.memory_space<hbm>>) target(%dma_start3A_333 : memref<128xf32, #tpu.memory_space<vmem>>) offsets(%dma_start3A_335 : memref<128xi32, #tpu.memory_space<vmem>>) semaphore(%arg8 : memref<!tpu.dma_semaphore, #tpu.memory_space<semaphore_mem>>)
    %dma_start3A_338 = arith.constant 384 : i32
    %dma_start3A_339 = tpu.memref_slice %arg7[%dma_start3A_338] : memref<512xf32, #tpu.memory_space<vmem>> -> memref<128xf32, #tpu.memory_space<vmem>>
    %dma_start3A_340 = arith.constant 384 : i32
    %dma_start3A_341 = tpu.memref_slice %arg6[%dma_start3A_340] : memref<512xi32, #tpu.memory_space<vmem>> -> memref<128xi32, #tpu.memory_space<vmem>>
    %dma_start3A_342 = arith.constant 0 : i32
    %dma_start3A_343 = tpu.memref_slice %arg3[%dma_start3A_342] : memref<1600000xf32, #tpu.memory_space<hbm>> -> memref<1600000xf32, #tpu.memory_space<hbm>>
    tpu.enqueue_indirect_dma source(%dma_start3A_343 : memref<1600000xf32, #tpu.memory_space<hbm>>) target(%dma_start3A_339 : memref<128xf32, #tpu.memory_space<vmem>>) offsets(%dma_start3A_341 : memref<128xi32, #tpu.memory_space<vmem>>) semaphore(%arg8 : memref<!tpu.dma_semaphore, #tpu.memory_space<semaphore_mem>>)
    %dma_wait3A = arith.constant 0 : i32
    %dma_wait3A_344 = tpu.memref_slice %arg7[%dma_wait3A] : memref<512xf32, #tpu.memory_space<vmem>> -> memref<128xf32, #tpu.memory_space<vmem>>
    %dma_wait3A_345 = arith.constant 0 : i32
    %dma_wait3A_346 = tpu.memref_slice %arg6[%dma_wait3A_345] : memref<512xi32, #tpu.memory_space<vmem>> -> memref<128xi32, #tpu.memory_space<vmem>>
    %dma_wait3A_347 = arith.constant 0 : i32
    %dma_wait3A_348 = tpu.memref_slice %arg3[%dma_wait3A_347] : memref<1600000xf32, #tpu.memory_space<hbm>> -> memref<1600000xf32, #tpu.memory_space<hbm>>
    tpu.wait_indirect_dma semaphore(%arg8 : memref<!tpu.dma_semaphore, #tpu.memory_space<semaphore_mem>>) src(%dma_wait3A_348 : memref<1600000xf32, #tpu.memory_space<hbm>>) dst(%dma_wait3A_344 : memref<128xf32, #tpu.memory_space<vmem>>)
    %dma_wait3A_349 = arith.constant 128 : i32
    %dma_wait3A_350 = tpu.memref_slice %arg7[%dma_wait3A_349] : memref<512xf32, #tpu.memory_space<vmem>> -> memref<128xf32, #tpu.memory_space<vmem>>
    %dma_wait3A_351 = arith.constant 128 : i32
    %dma_wait3A_352 = tpu.memref_slice %arg6[%dma_wait3A_351] : memref<512xi32, #tpu.memory_space<vmem>> -> memref<128xi32, #tpu.memory_space<vmem>>
    %dma_wait3A_353 = arith.constant 0 : i32
    %dma_wait3A_354 = tpu.memref_slice %arg3[%dma_wait3A_353] : memref<1600000xf32, #tpu.memory_space<hbm>> -> memref<1600000xf32, #tpu.memory_space<hbm>>
    tpu.wait_indirect_dma semaphore(%arg8 : memref<!tpu.dma_semaphore, #tpu.memory_space<semaphore_mem>>) src(%dma_wait3A_354 : memref<1600000xf32, #tpu.memory_space<hbm>>) dst(%dma_wait3A_350 : memref<128xf32, #tpu.memory_space<vmem>>)
    %dma_wait3A_355 = arith.constant 256 : i32
    %dma_wait3A_356 = tpu.memref_slice %arg7[%dma_wait3A_355] : memref<512xf32, #tpu.memory_space<vmem>> -> memref<128xf32, #tpu.memory_space<vmem>>
    %dma_wait3A_357 = arith.constant 256 : i32
    %dma_wait3A_358 = tpu.memref_slice %arg6[%dma_wait3A_357] : memref<512xi32, #tpu.memory_space<vmem>> -> memref<128xi32, #tpu.memory_space<vmem>>
    %dma_wait3A_359 = arith.constant 0 : i32
    %dma_wait3A_360 = tpu.memref_slice %arg3[%dma_wait3A_359] : memref<1600000xf32, #tpu.memory_space<hbm>> -> memref<1600000xf32, #tpu.memory_space<hbm>>
    tpu.wait_indirect_dma semaphore(%arg8 : memref<!tpu.dma_semaphore, #tpu.memory_space<semaphore_mem>>) src(%dma_wait3A_360 : memref<1600000xf32, #tpu.memory_space<hbm>>) dst(%dma_wait3A_356 : memref<128xf32, #tpu.memory_space<vmem>>)
    %dma_wait3A_361 = arith.constant 384 : i32
    %dma_wait3A_362 = tpu.memref_slice %arg7[%dma_wait3A_361] : memref<512xf32, #tpu.memory_space<vmem>> -> memref<128xf32, #tpu.memory_space<vmem>>
    %dma_wait3A_363 = arith.constant 384 : i32
    %dma_wait3A_364 = tpu.memref_slice %arg6[%dma_wait3A_363] : memref<512xi32, #tpu.memory_space<vmem>> -> memref<128xi32, #tpu.memory_space<vmem>>
    %dma_wait3A_365 = arith.constant 0 : i32
    %dma_wait3A_366 = tpu.memref_slice %arg3[%dma_wait3A_365] : memref<1600000xf32, #tpu.memory_space<hbm>> -> memref<1600000xf32, #tpu.memory_space<hbm>>
    tpu.wait_indirect_dma semaphore(%arg8 : memref<!tpu.dma_semaphore, #tpu.memory_space<semaphore_mem>>) src(%dma_wait3A_366 : memref<1600000xf32, #tpu.memory_space<hbm>>) dst(%dma_wait3A_362 : memref<128xf32, #tpu.memory_space<vmem>>)
    %run_scoped3A = arith.constant 0 : i32
    "tpu.region"() ({
      %run_scoped3A_382 = tpu.sem_alloc : memref<!tpu.dma_semaphore, #tpu.memory_space<semaphore_mem>>
      %dma_start3A_383 = arith.constant 0 : i32
      %dma_start3A_384 = tpu.memref_slice %arg7[%dma_start3A_383] : memref<512xf32, #tpu.memory_space<vmem>> -> memref<32xf32, #tpu.memory_space<vmem>>
      %dma_start3A_385 = tpu.memref_slice %arg4[%run_scoped3A, %mul3A_2] : memref<16x1024xf32, #tpu.memory_space<hbm>> -> memref<1x32xf32, #tpu.memory_space<hbm>>
      %dma_start3A_386 = tpu.memref_squeeze %dma_start3A_385 : memref<1x32xf32, #tpu.memory_space<hbm>> -> memref<32xf32, #tpu.memory_space<hbm>>
      %dma_start3A_387 = tpu.memref_slice %arg4[%run_scoped3A, %mul3A_2] : memref<16x1024xf32, #tpu.memory_space<hbm>> -> memref<1x32xf32, #tpu.memory_space<hbm>>
      %dma_start3A_388 = tpu.memref_squeeze %dma_start3A_387 : memref<1x32xf32, #tpu.memory_space<hbm>> -> memref<32xf32, #tpu.memory_space<hbm>>
      %dma_start3A_389 = arith.constant 0 : i32
      %dma_start3A_390 = tpu.memref_slice %arg7[%dma_start3A_389] : memref<512xf32, #tpu.memory_space<vmem>> -> memref<32xf32, #tpu.memory_space<vmem>>
      tpu.enqueue_dma source(%dma_start3A_390 : memref<32xf32, #tpu.memory_space<vmem>>) target(%dma_start3A_388 : memref<32xf32, #tpu.memory_space<hbm>>) target_semaphore(%run_scoped3A_382 : memref<!tpu.dma_semaphore, #tpu.memory_space<semaphore_mem>>)
      %dma_wait3A_391 = arith.constant 0 : i32
      %dma_wait3A_392 = tpu.memref_slice %arg7[%dma_wait3A_391] : memref<512xf32, #tpu.memory_space<vmem>> -> memref<32xf32, #tpu.memory_space<vmem>>
      %dma_wait3A_393 = tpu.memref_slice %arg4[%run_scoped3A, %mul3A_2] : memref<16x1024xf32, #tpu.memory_space<hbm>> -> memref<1x32xf32, #tpu.memory_space<hbm>>
      %dma_wait3A_394 = tpu.memref_squeeze %dma_wait3A_393 : memref<1x32xf32, #tpu.memory_space<hbm>> -> memref<32xf32, #tpu.memory_space<hbm>>
      %dma_wait3A_395 = tpu.memref_slice %arg4[%run_scoped3A, %mul3A_2] : memref<16x1024xf32, #tpu.memory_space<hbm>> -> memref<1x32xf32, #tpu.memory_space<hbm>>
      %dma_wait3A_396 = tpu.memref_squeeze %dma_wait3A_395 : memref<1x32xf32, #tpu.memory_space<hbm>> -> memref<32xf32, #tpu.memory_space<hbm>>
      %dma_wait3A_397 = arith.constant 0 : i32
      %dma_wait3A_398 = tpu.memref_slice %arg7[%dma_wait3A_397] : memref<512xf32, #tpu.memory_space<vmem>> -> memref<32xf32, #tpu.memory_space<vmem>>
      tpu.wait_dma2 semaphore(%run_scoped3A_382 : memref<!tpu.dma_semaphore, #tpu.memory_space<semaphore_mem>>) src(%dma_wait3A_398 : memref<32xf32, #tpu.memory_space<vmem>>) dst(%dma_wait3A_396 : memref<32xf32, #tpu.memory_space<hbm>>)
      tpu.yield
    }) : () -> ()
    %run_scoped3A_367 = arith.constant 1 : i32
    "tpu.region"() ({
      %run_scoped3A_382 = tpu.sem_alloc : memref<!tpu.dma_semaphore, #tpu.memory_space<semaphore_mem>>
      %dma_start3A_383 = arith.constant 32 : i32
      %dma_start3A_384 = tpu.memref_slice %arg7[%dma_start3A_383] : memref<512xf32, #tpu.memory_space<vmem>> -> memref<32xf32, #tpu.memory_space<vmem>>
      %dma_start3A_385 = tpu.memref_slice %arg4[%run_scoped3A_367, %mul3A_2] : memref<16x1024xf32, #tpu.memory_space<hbm>> -> memref<1x32xf32, #tpu.memory_space<hbm>>
      %dma_start3A_386 = tpu.memref_squeeze %dma_start3A_385 : memref<1x32xf32, #tpu.memory_space<hbm>> -> memref<32xf32, #tpu.memory_space<hbm>>
      %dma_start3A_387 = tpu.memref_slice %arg4[%run_scoped3A_367, %mul3A_2] : memref<16x1024xf32, #tpu.memory_space<hbm>> -> memref<1x32xf32, #tpu.memory_space<hbm>>
      %dma_start3A_388 = tpu.memref_squeeze %dma_start3A_387 : memref<1x32xf32, #tpu.memory_space<hbm>> -> memref<32xf32, #tpu.memory_space<hbm>>
      %dma_start3A_389 = arith.constant 32 : i32
      %dma_start3A_390 = tpu.memref_slice %arg7[%dma_start3A_389] : memref<512xf32, #tpu.memory_space<vmem>> -> memref<32xf32, #tpu.memory_space<vmem>>
      tpu.enqueue_dma source(%dma_start3A_390 : memref<32xf32, #tpu.memory_space<vmem>>) target(%dma_start3A_388 : memref<32xf32, #tpu.memory_space<hbm>>) target_semaphore(%run_scoped3A_382 : memref<!tpu.dma_semaphore, #tpu.memory_space<semaphore_mem>>)
      %dma_wait3A_391 = arith.constant 32 : i32
      %dma_wait3A_392 = tpu.memref_slice %arg7[%dma_wait3A_391] : memref<512xf32, #tpu.memory_space<vmem>> -> memref<32xf32, #tpu.memory_space<vmem>>
      %dma_wait3A_393 = tpu.memref_slice %arg4[%run_scoped3A_367, %mul3A_2] : memref<16x1024xf32, #tpu.memory_space<hbm>> -> memref<1x32xf32, #tpu.memory_space<hbm>>
      %dma_wait3A_394 = tpu.memref_squeeze %dma_wait3A_393 : memref<1x32xf32, #tpu.memory_space<hbm>> -> memref<32xf32, #tpu.memory_space<hbm>>
      %dma_wait3A_395 = tpu.memref_slice %arg4[%run_scoped3A_367, %mul3A_2] : memref<16x1024xf32, #tpu.memory_space<hbm>> -> memref<1x32xf32, #tpu.memory_space<hbm>>
      %dma_wait3A_396 = tpu.memref_squeeze %dma_wait3A_395 : memref<1x32xf32, #tpu.memory_space<hbm>> -> memref<32xf32, #tpu.memory_space<hbm>>
      %dma_wait3A_397 = arith.constant 32 : i32
      %dma_wait3A_398 = tpu.memref_slice %arg7[%dma_wait3A_397] : memref<512xf32, #tpu.memory_space<vmem>> -> memref<32xf32, #tpu.memory_space<vmem>>
      tpu.wait_dma2 semaphore(%run_scoped3A_382 : memref<!tpu.dma_semaphore, #tpu.memory_space<semaphore_mem>>) src(%dma_wait3A_398 : memref<32xf32, #tpu.memory_space<vmem>>) dst(%dma_wait3A_396 : memref<32xf32, #tpu.memory_space<hbm>>)
      tpu.yield
    }) : () -> ()
    %run_scoped3A_368 = arith.constant 2 : i32
    "tpu.region"() ({
      %run_scoped3A_382 = tpu.sem_alloc : memref<!tpu.dma_semaphore, #tpu.memory_space<semaphore_mem>>
      %dma_start3A_383 = arith.constant 64 : i32
      %dma_start3A_384 = tpu.memref_slice %arg7[%dma_start3A_383] : memref<512xf32, #tpu.memory_space<vmem>> -> memref<32xf32, #tpu.memory_space<vmem>>
      %dma_start3A_385 = tpu.memref_slice %arg4[%run_scoped3A_368, %mul3A_2] : memref<16x1024xf32, #tpu.memory_space<hbm>> -> memref<1x32xf32, #tpu.memory_space<hbm>>
      %dma_start3A_386 = tpu.memref_squeeze %dma_start3A_385 : memref<1x32xf32, #tpu.memory_space<hbm>> -> memref<32xf32, #tpu.memory_space<hbm>>
      %dma_start3A_387 = tpu.memref_slice %arg4[%run_scoped3A_368, %mul3A_2] : memref<16x1024xf32, #tpu.memory_space<hbm>> -> memref<1x32xf32, #tpu.memory_space<hbm>>
      %dma_start3A_388 = tpu.memref_squeeze %dma_start3A_387 : memref<1x32xf32, #tpu.memory_space<hbm>> -> memref<32xf32, #tpu.memory_space<hbm>>
      %dma_start3A_389 = arith.constant 64 : i32
      %dma_start3A_390 = tpu.memref_slice %arg7[%dma_start3A_389] : memref<512xf32, #tpu.memory_space<vmem>> -> memref<32xf32, #tpu.memory_space<vmem>>
      tpu.enqueue_dma source(%dma_start3A_390 : memref<32xf32, #tpu.memory_space<vmem>>) target(%dma_start3A_388 : memref<32xf32, #tpu.memory_space<hbm>>) target_semaphore(%run_scoped3A_382 : memref<!tpu.dma_semaphore, #tpu.memory_space<semaphore_mem>>)
      %dma_wait3A_391 = arith.constant 64 : i32
      %dma_wait3A_392 = tpu.memref_slice %arg7[%dma_wait3A_391] : memref<512xf32, #tpu.memory_space<vmem>> -> memref<32xf32, #tpu.memory_space<vmem>>
      %dma_wait3A_393 = tpu.memref_slice %arg4[%run_scoped3A_368, %mul3A_2] : memref<16x1024xf32, #tpu.memory_space<hbm>> -> memref<1x32xf32, #tpu.memory_space<hbm>>
      %dma_wait3A_394 = tpu.memref_squeeze %dma_wait3A_393 : memref<1x32xf32, #tpu.memory_space<hbm>> -> memref<32xf32, #tpu.memory_space<hbm>>
      %dma_wait3A_395 = tpu.memref_slice %arg4[%run_scoped3A_368, %mul3A_2] : memref<16x1024xf32, #tpu.memory_space<hbm>> -> memref<1x32xf32, #tpu.memory_space<hbm>>
      %dma_wait3A_396 = tpu.memref_squeeze %dma_wait3A_395 : memref<1x32xf32, #tpu.memory_space<hbm>> -> memref<32xf32, #tpu.memory_space<hbm>>
      %dma_wait3A_397 = arith.constant 64 : i32
      %dma_wait3A_398 = tpu.memref_slice %arg7[%dma_wait3A_397] : memref<512xf32, #tpu.memory_space<vmem>> -> memref<32xf32, #tpu.memory_space<vmem>>
      tpu.wait_dma2 semaphore(%run_scoped3A_382 : memref<!tpu.dma_semaphore, #tpu.memory_space<semaphore_mem>>) src(%dma_wait3A_398 : memref<32xf32, #tpu.memory_space<vmem>>) dst(%dma_wait3A_396 : memref<32xf32, #tpu.memory_space<hbm>>)
      tpu.yield
    }) : () -> ()
    %run_scoped3A_369 = arith.constant 3 : i32
    "tpu.region"() ({
      %run_scoped3A_382 = tpu.sem_alloc : memref<!tpu.dma_semaphore, #tpu.memory_space<semaphore_mem>>
      %dma_start3A_383 = arith.constant 96 : i32
      %dma_start3A_384 = tpu.memref_slice %arg7[%dma_start3A_383] : memref<512xf32, #tpu.memory_space<vmem>> -> memref<32xf32, #tpu.memory_space<vmem>>
      %dma_start3A_385 = tpu.memref_slice %arg4[%run_scoped3A_369, %mul3A_2] : memref<16x1024xf32, #tpu.memory_space<hbm>> -> memref<1x32xf32, #tpu.memory_space<hbm>>
      %dma_start3A_386 = tpu.memref_squeeze %dma_start3A_385 : memref<1x32xf32, #tpu.memory_space<hbm>> -> memref<32xf32, #tpu.memory_space<hbm>>
      %dma_start3A_387 = tpu.memref_slice %arg4[%run_scoped3A_369, %mul3A_2] : memref<16x1024xf32, #tpu.memory_space<hbm>> -> memref<1x32xf32, #tpu.memory_space<hbm>>
      %dma_start3A_388 = tpu.memref_squeeze %dma_start3A_387 : memref<1x32xf32, #tpu.memory_space<hbm>> -> memref<32xf32, #tpu.memory_space<hbm>>
      %dma_start3A_389 = arith.constant 96 : i32
      %dma_start3A_390 = tpu.memref_slice %arg7[%dma_start3A_389] : memref<512xf32, #tpu.memory_space<vmem>> -> memref<32xf32, #tpu.memory_space<vmem>>
      tpu.enqueue_dma source(%dma_start3A_390 : memref<32xf32, #tpu.memory_space<vmem>>) target(%dma_start3A_388 : memref<32xf32, #tpu.memory_space<hbm>>) target_semaphore(%run_scoped3A_382 : memref<!tpu.dma_semaphore, #tpu.memory_space<semaphore_mem>>)
      %dma_wait3A_391 = arith.constant 96 : i32
      %dma_wait3A_392 = tpu.memref_slice %arg7[%dma_wait3A_391] : memref<512xf32, #tpu.memory_space<vmem>> -> memref<32xf32, #tpu.memory_space<vmem>>
      %dma_wait3A_393 = tpu.memref_slice %arg4[%run_scoped3A_369, %mul3A_2] : memref<16x1024xf32, #tpu.memory_space<hbm>> -> memref<1x32xf32, #tpu.memory_space<hbm>>
      %dma_wait3A_394 = tpu.memref_squeeze %dma_wait3A_393 : memref<1x32xf32, #tpu.memory_space<hbm>> -> memref<32xf32, #tpu.memory_space<hbm>>
      %dma_wait3A_395 = tpu.memref_slice %arg4[%run_scoped3A_369, %mul3A_2] : memref<16x1024xf32, #tpu.memory_space<hbm>> -> memref<1x32xf32, #tpu.memory_space<hbm>>
      %dma_wait3A_396 = tpu.memref_squeeze %dma_wait3A_395 : memref<1x32xf32, #tpu.memory_space<hbm>> -> memref<32xf32, #tpu.memory_space<hbm>>
      %dma_wait3A_397 = arith.constant 96 : i32
      %dma_wait3A_398 = tpu.memref_slice %arg7[%dma_wait3A_397] : memref<512xf32, #tpu.memory_space<vmem>> -> memref<32xf32, #tpu.memory_space<vmem>>
      tpu.wait_dma2 semaphore(%run_scoped3A_382 : memref<!tpu.dma_semaphore, #tpu.memory_space<semaphore_mem>>) src(%dma_wait3A_398 : memref<32xf32, #tpu.memory_space<vmem>>) dst(%dma_wait3A_396 : memref<32xf32, #tpu.memory_space<hbm>>)
      tpu.yield
    }) : () -> ()
    %run_scoped3A_370 = arith.constant 4 : i32
    "tpu.region"() ({
      %run_scoped3A_382 = tpu.sem_alloc : memref<!tpu.dma_semaphore, #tpu.memory_space<semaphore_mem>>
      %dma_start3A_383 = arith.constant 128 : i32
      %dma_start3A_384 = tpu.memref_slice %arg7[%dma_start3A_383] : memref<512xf32, #tpu.memory_space<vmem>> -> memref<32xf32, #tpu.memory_space<vmem>>
      %dma_start3A_385 = tpu.memref_slice %arg4[%run_scoped3A_370, %mul3A_2] : memref<16x1024xf32, #tpu.memory_space<hbm>> -> memref<1x32xf32, #tpu.memory_space<hbm>>
      %dma_start3A_386 = tpu.memref_squeeze %dma_start3A_385 : memref<1x32xf32, #tpu.memory_space<hbm>> -> memref<32xf32, #tpu.memory_space<hbm>>
      %dma_start3A_387 = tpu.memref_slice %arg4[%run_scoped3A_370, %mul3A_2] : memref<16x1024xf32, #tpu.memory_space<hbm>> -> memref<1x32xf32, #tpu.memory_space<hbm>>
      %dma_start3A_388 = tpu.memref_squeeze %dma_start3A_387 : memref<1x32xf32, #tpu.memory_space<hbm>> -> memref<32xf32, #tpu.memory_space<hbm>>
      %dma_start3A_389 = arith.constant 128 : i32
      %dma_start3A_390 = tpu.memref_slice %arg7[%dma_start3A_389] : memref<512xf32, #tpu.memory_space<vmem>> -> memref<32xf32, #tpu.memory_space<vmem>>
      tpu.enqueue_dma source(%dma_start3A_390 : memref<32xf32, #tpu.memory_space<vmem>>) target(%dma_start3A_388 : memref<32xf32, #tpu.memory_space<hbm>>) target_semaphore(%run_scoped3A_382 : memref<!tpu.dma_semaphore, #tpu.memory_space<semaphore_mem>>)
      %dma_wait3A_391 = arith.constant 128 : i32
      %dma_wait3A_392 = tpu.memref_slice %arg7[%dma_wait3A_391] : memref<512xf32, #tpu.memory_space<vmem>> -> memref<32xf32, #tpu.memory_space<vmem>>
      %dma_wait3A_393 = tpu.memref_slice %arg4[%run_scoped3A_370, %mul3A_2] : memref<16x1024xf32, #tpu.memory_space<hbm>> -> memref<1x32xf32, #tpu.memory_space<hbm>>
      %dma_wait3A_394 = tpu.memref_squeeze %dma_wait3A_393 : memref<1x32xf32, #tpu.memory_space<hbm>> -> memref<32xf32, #tpu.memory_space<hbm>>
      %dma_wait3A_395 = tpu.memref_slice %arg4[%run_scoped3A_370, %mul3A_2] : memref<16x1024xf32, #tpu.memory_space<hbm>> -> memref<1x32xf32, #tpu.memory_space<hbm>>
      %dma_wait3A_396 = tpu.memref_squeeze %dma_wait3A_395 : memref<1x32xf32, #tpu.memory_space<hbm>> -> memref<32xf32, #tpu.memory_space<hbm>>
      %dma_wait3A_397 = arith.constant 128 : i32
      %dma_wait3A_398 = tpu.memref_slice %arg7[%dma_wait3A_397] : memref<512xf32, #tpu.memory_space<vmem>> -> memref<32xf32, #tpu.memory_space<vmem>>
      tpu.wait_dma2 semaphore(%run_scoped3A_382 : memref<!tpu.dma_semaphore, #tpu.memory_space<semaphore_mem>>) src(%dma_wait3A_398 : memref<32xf32, #tpu.memory_space<vmem>>) dst(%dma_wait3A_396 : memref<32xf32, #tpu.memory_space<hbm>>)
      tpu.yield
    }) : () -> ()
    %run_scoped3A_371 = arith.constant 5 : i32
    "tpu.region"() ({
      %run_scoped3A_382 = tpu.sem_alloc : memref<!tpu.dma_semaphore, #tpu.memory_space<semaphore_mem>>
      %dma_start3A_383 = arith.constant 160 : i32
      %dma_start3A_384 = tpu.memref_slice %arg7[%dma_start3A_383] : memref<512xf32, #tpu.memory_space<vmem>> -> memref<32xf32, #tpu.memory_space<vmem>>
      %dma_start3A_385 = tpu.memref_slice %arg4[%run_scoped3A_371, %mul3A_2] : memref<16x1024xf32, #tpu.memory_space<hbm>> -> memref<1x32xf32, #tpu.memory_space<hbm>>
      %dma_start3A_386 = tpu.memref_squeeze %dma_start3A_385 : memref<1x32xf32, #tpu.memory_space<hbm>> -> memref<32xf32, #tpu.memory_space<hbm>>
      %dma_start3A_387 = tpu.memref_slice %arg4[%run_scoped3A_371, %mul3A_2] : memref<16x1024xf32, #tpu.memory_space<hbm>> -> memref<1x32xf32, #tpu.memory_space<hbm>>
      %dma_start3A_388 = tpu.memref_squeeze %dma_start3A_387 : memref<1x32xf32, #tpu.memory_space<hbm>> -> memref<32xf32, #tpu.memory_space<hbm>>
      %dma_start3A_389 = arith.constant 160 : i32
      %dma_start3A_390 = tpu.memref_slice %arg7[%dma_start3A_389] : memref<512xf32, #tpu.memory_space<vmem>> -> memref<32xf32, #tpu.memory_space<vmem>>
      tpu.enqueue_dma source(%dma_start3A_390 : memref<32xf32, #tpu.memory_space<vmem>>) target(%dma_start3A_388 : memref<32xf32, #tpu.memory_space<hbm>>) target_semaphore(%run_scoped3A_382 : memref<!tpu.dma_semaphore, #tpu.memory_space<semaphore_mem>>)
      %dma_wait3A_391 = arith.constant 160 : i32
      %dma_wait3A_392 = tpu.memref_slice %arg7[%dma_wait3A_391] : memref<512xf32, #tpu.memory_space<vmem>> -> memref<32xf32, #tpu.memory_space<vmem>>
      %dma_wait3A_393 = tpu.memref_slice %arg4[%run_scoped3A_371, %mul3A_2] : memref<16x1024xf32, #tpu.memory_space<hbm>> -> memref<1x32xf32, #tpu.memory_space<hbm>>
      %dma_wait3A_394 = tpu.memref_squeeze %dma_wait3A_393 : memref<1x32xf32, #tpu.memory_space<hbm>> -> memref<32xf32, #tpu.memory_space<hbm>>
      %dma_wait3A_395 = tpu.memref_slice %arg4[%run_scoped3A_371, %mul3A_2] : memref<16x1024xf32, #tpu.memory_space<hbm>> -> memref<1x32xf32, #tpu.memory_space<hbm>>
      %dma_wait3A_396 = tpu.memref_squeeze %dma_wait3A_395 : memref<1x32xf32, #tpu.memory_space<hbm>> -> memref<32xf32, #tpu.memory_space<hbm>>
      %dma_wait3A_397 = arith.constant 160 : i32
      %dma_wait3A_398 = tpu.memref_slice %arg7[%dma_wait3A_397] : memref<512xf32, #tpu.memory_space<vmem>> -> memref<32xf32, #tpu.memory_space<vmem>>
      tpu.wait_dma2 semaphore(%run_scoped3A_382 : memref<!tpu.dma_semaphore, #tpu.memory_space<semaphore_mem>>) src(%dma_wait3A_398 : memref<32xf32, #tpu.memory_space<vmem>>) dst(%dma_wait3A_396 : memref<32xf32, #tpu.memory_space<hbm>>)
      tpu.yield
    }) : () -> ()
    %run_scoped3A_372 = arith.constant 6 : i32
    "tpu.region"() ({
      %run_scoped3A_382 = tpu.sem_alloc : memref<!tpu.dma_semaphore, #tpu.memory_space<semaphore_mem>>
      %dma_start3A_383 = arith.constant 192 : i32
      %dma_start3A_384 = tpu.memref_slice %arg7[%dma_start3A_383] : memref<512xf32, #tpu.memory_space<vmem>> -> memref<32xf32, #tpu.memory_space<vmem>>
      %dma_start3A_385 = tpu.memref_slice %arg4[%run_scoped3A_372, %mul3A_2] : memref<16x1024xf32, #tpu.memory_space<hbm>> -> memref<1x32xf32, #tpu.memory_space<hbm>>
      %dma_start3A_386 = tpu.memref_squeeze %dma_start3A_385 : memref<1x32xf32, #tpu.memory_space<hbm>> -> memref<32xf32, #tpu.memory_space<hbm>>
      %dma_start3A_387 = tpu.memref_slice %arg4[%run_scoped3A_372, %mul3A_2] : memref<16x1024xf32, #tpu.memory_space<hbm>> -> memref<1x32xf32, #tpu.memory_space<hbm>>
      %dma_start3A_388 = tpu.memref_squeeze %dma_start3A_387 : memref<1x32xf32, #tpu.memory_space<hbm>> -> memref<32xf32, #tpu.memory_space<hbm>>
      %dma_start3A_389 = arith.constant 192 : i32
      %dma_start3A_390 = tpu.memref_slice %arg7[%dma_start3A_389] : memref<512xf32, #tpu.memory_space<vmem>> -> memref<32xf32, #tpu.memory_space<vmem>>
      tpu.enqueue_dma source(%dma_start3A_390 : memref<32xf32, #tpu.memory_space<vmem>>) target(%dma_start3A_388 : memref<32xf32, #tpu.memory_space<hbm>>) target_semaphore(%run_scoped3A_382 : memref<!tpu.dma_semaphore, #tpu.memory_space<semaphore_mem>>)
      %dma_wait3A_391 = arith.constant 192 : i32
      %dma_wait3A_392 = tpu.memref_slice %arg7[%dma_wait3A_391] : memref<512xf32, #tpu.memory_space<vmem>> -> memref<32xf32, #tpu.memory_space<vmem>>
      %dma_wait3A_393 = tpu.memref_slice %arg4[%run_scoped3A_372, %mul3A_2] : memref<16x1024xf32, #tpu.memory_space<hbm>> -> memref<1x32xf32, #tpu.memory_space<hbm>>
      %dma_wait3A_394 = tpu.memref_squeeze %dma_wait3A_393 : memref<1x32xf32, #tpu.memory_space<hbm>> -> memref<32xf32, #tpu.memory_space<hbm>>
      %dma_wait3A_395 = tpu.memref_slice %arg4[%run_scoped3A_372, %mul3A_2] : memref<16x1024xf32, #tpu.memory_space<hbm>> -> memref<1x32xf32, #tpu.memory_space<hbm>>
      %dma_wait3A_396 = tpu.memref_squeeze %dma_wait3A_395 : memref<1x32xf32, #tpu.memory_space<hbm>> -> memref<32xf32, #tpu.memory_space<hbm>>
      %dma_wait3A_397 = arith.constant 192 : i32
      %dma_wait3A_398 = tpu.memref_slice %arg7[%dma_wait3A_397] : memref<512xf32, #tpu.memory_space<vmem>> -> memref<32xf32, #tpu.memory_space<vmem>>
      tpu.wait_dma2 semaphore(%run_scoped3A_382 : memref<!tpu.dma_semaphore, #tpu.memory_space<semaphore_mem>>) src(%dma_wait3A_398 : memref<32xf32, #tpu.memory_space<vmem>>) dst(%dma_wait3A_396 : memref<32xf32, #tpu.memory_space<hbm>>)
      tpu.yield
    }) : () -> ()
    %run_scoped3A_373 = arith.constant 7 : i32
    "tpu.region"() ({
      %run_scoped3A_382 = tpu.sem_alloc : memref<!tpu.dma_semaphore, #tpu.memory_space<semaphore_mem>>
      %dma_start3A_383 = arith.constant 224 : i32
      %dma_start3A_384 = tpu.memref_slice %arg7[%dma_start3A_383] : memref<512xf32, #tpu.memory_space<vmem>> -> memref<32xf32, #tpu.memory_space<vmem>>
      %dma_start3A_385 = tpu.memref_slice %arg4[%run_scoped3A_373, %mul3A_2] : memref<16x1024xf32, #tpu.memory_space<hbm>> -> memref<1x32xf32, #tpu.memory_space<hbm>>
      %dma_start3A_386 = tpu.memref_squeeze %dma_start3A_385 : memref<1x32xf32, #tpu.memory_space<hbm>> -> memref<32xf32, #tpu.memory_space<hbm>>
      %dma_start3A_387 = tpu.memref_slice %arg4[%run_scoped3A_373, %mul3A_2] : memref<16x1024xf32, #tpu.memory_space<hbm>> -> memref<1x32xf32, #tpu.memory_space<hbm>>
      %dma_start3A_388 = tpu.memref_squeeze %dma_start3A_387 : memref<1x32xf32, #tpu.memory_space<hbm>> -> memref<32xf32, #tpu.memory_space<hbm>>
      %dma_start3A_389 = arith.constant 224 : i32
      %dma_start3A_390 = tpu.memref_slice %arg7[%dma_start3A_389] : memref<512xf32, #tpu.memory_space<vmem>> -> memref<32xf32, #tpu.memory_space<vmem>>
      tpu.enqueue_dma source(%dma_start3A_390 : memref<32xf32, #tpu.memory_space<vmem>>) target(%dma_start3A_388 : memref<32xf32, #tpu.memory_space<hbm>>) target_semaphore(%run_scoped3A_382 : memref<!tpu.dma_semaphore, #tpu.memory_space<semaphore_mem>>)
      %dma_wait3A_391 = arith.constant 224 : i32
      %dma_wait3A_392 = tpu.memref_slice %arg7[%dma_wait3A_391] : memref<512xf32, #tpu.memory_space<vmem>> -> memref<32xf32, #tpu.memory_space<vmem>>
      %dma_wait3A_393 = tpu.memref_slice %arg4[%run_scoped3A_373, %mul3A_2] : memref<16x1024xf32, #tpu.memory_space<hbm>> -> memref<1x32xf32, #tpu.memory_space<hbm>>
      %dma_wait3A_394 = tpu.memref_squeeze %dma_wait3A_393 : memref<1x32xf32, #tpu.memory_space<hbm>> -> memref<32xf32, #tpu.memory_space<hbm>>
      %dma_wait3A_395 = tpu.memref_slice %arg4[%run_scoped3A_373, %mul3A_2] : memref<16x1024xf32, #tpu.memory_space<hbm>> -> memref<1x32xf32, #tpu.memory_space<hbm>>
      %dma_wait3A_396 = tpu.memref_squeeze %dma_wait3A_395 : memref<1x32xf32, #tpu.memory_space<hbm>> -> memref<32xf32, #tpu.memory_space<hbm>>
      %dma_wait3A_397 = arith.constant 224 : i32
      %dma_wait3A_398 = tpu.memref_slice %arg7[%dma_wait3A_397] : memref<512xf32, #tpu.memory_space<vmem>> -> memref<32xf32, #tpu.memory_space<vmem>>
      tpu.wait_dma2 semaphore(%run_scoped3A_382 : memref<!tpu.dma_semaphore, #tpu.memory_space<semaphore_mem>>) src(%dma_wait3A_398 : memref<32xf32, #tpu.memory_space<vmem>>) dst(%dma_wait3A_396 : memref<32xf32, #tpu.memory_space<hbm>>)
      tpu.yield
    }) : () -> ()
    %run_scoped3A_374 = arith.constant 8 : i32
    "tpu.region"() ({
      %run_scoped3A_382 = tpu.sem_alloc : memref<!tpu.dma_semaphore, #tpu.memory_space<semaphore_mem>>
      %dma_start3A_383 = arith.constant 256 : i32
      %dma_start3A_384 = tpu.memref_slice %arg7[%dma_start3A_383] : memref<512xf32, #tpu.memory_space<vmem>> -> memref<32xf32, #tpu.memory_space<vmem>>
      %dma_start3A_385 = tpu.memref_slice %arg4[%run_scoped3A_374, %mul3A_2] : memref<16x1024xf32, #tpu.memory_space<hbm>> -> memref<1x32xf32, #tpu.memory_space<hbm>>
      %dma_start3A_386 = tpu.memref_squeeze %dma_start3A_385 : memref<1x32xf32, #tpu.memory_space<hbm>> -> memref<32xf32, #tpu.memory_space<hbm>>
      %dma_start3A_387 = tpu.memref_slice %arg4[%run_scoped3A_374, %mul3A_2] : memref<16x1024xf32, #tpu.memory_space<hbm>> -> memref<1x32xf32, #tpu.memory_space<hbm>>
      %dma_start3A_388 = tpu.memref_squeeze %dma_start3A_387 : memref<1x32xf32, #tpu.memory_space<hbm>> -> memref<32xf32, #tpu.memory_space<hbm>>
      %dma_start3A_389 = arith.constant 256 : i32
      %dma_start3A_390 = tpu.memref_slice %arg7[%dma_start3A_389] : memref<512xf32, #tpu.memory_space<vmem>> -> memref<32xf32, #tpu.memory_space<vmem>>
      tpu.enqueue_dma source(%dma_start3A_390 : memref<32xf32, #tpu.memory_space<vmem>>) target(%dma_start3A_388 : memref<32xf32, #tpu.memory_space<hbm>>) target_semaphore(%run_scoped3A_382 : memref<!tpu.dma_semaphore, #tpu.memory_space<semaphore_mem>>)
      %dma_wait3A_391 = arith.constant 256 : i32
      %dma_wait3A_392 = tpu.memref_slice %arg7[%dma_wait3A_391] : memref<512xf32, #tpu.memory_space<vmem>> -> memref<32xf32, #tpu.memory_space<vmem>>
      %dma_wait3A_393 = tpu.memref_slice %arg4[%run_scoped3A_374, %mul3A_2] : memref<16x1024xf32, #tpu.memory_space<hbm>> -> memref<1x32xf32, #tpu.memory_space<hbm>>
      %dma_wait3A_394 = tpu.memref_squeeze %dma_wait3A_393 : memref<1x32xf32, #tpu.memory_space<hbm>> -> memref<32xf32, #tpu.memory_space<hbm>>
      %dma_wait3A_395 = tpu.memref_slice %arg4[%run_scoped3A_374, %mul3A_2] : memref<16x1024xf32, #tpu.memory_space<hbm>> -> memref<1x32xf32, #tpu.memory_space<hbm>>
      %dma_wait3A_396 = tpu.memref_squeeze %dma_wait3A_395 : memref<1x32xf32, #tpu.memory_space<hbm>> -> memref<32xf32, #tpu.memory_space<hbm>>
      %dma_wait3A_397 = arith.constant 256 : i32
      %dma_wait3A_398 = tpu.memref_slice %arg7[%dma_wait3A_397] : memref<512xf32, #tpu.memory_space<vmem>> -> memref<32xf32, #tpu.memory_space<vmem>>
      tpu.wait_dma2 semaphore(%run_scoped3A_382 : memref<!tpu.dma_semaphore, #tpu.memory_space<semaphore_mem>>) src(%dma_wait3A_398 : memref<32xf32, #tpu.memory_space<vmem>>) dst(%dma_wait3A_396 : memref<32xf32, #tpu.memory_space<hbm>>)
      tpu.yield
    }) : () -> ()
    %run_scoped3A_375 = arith.constant 9 : i32
    "tpu.region"() ({
      %run_scoped3A_382 = tpu.sem_alloc : memref<!tpu.dma_semaphore, #tpu.memory_space<semaphore_mem>>
      %dma_start3A_383 = arith.constant 288 : i32
      %dma_start3A_384 = tpu.memref_slice %arg7[%dma_start3A_383] : memref<512xf32, #tpu.memory_space<vmem>> -> memref<32xf32, #tpu.memory_space<vmem>>
      %dma_start3A_385 = tpu.memref_slice %arg4[%run_scoped3A_375, %mul3A_2] : memref<16x1024xf32, #tpu.memory_space<hbm>> -> memref<1x32xf32, #tpu.memory_space<hbm>>
      %dma_start3A_386 = tpu.memref_squeeze %dma_start3A_385 : memref<1x32xf32, #tpu.memory_space<hbm>> -> memref<32xf32, #tpu.memory_space<hbm>>
      %dma_start3A_387 = tpu.memref_slice %arg4[%run_scoped3A_375, %mul3A_2] : memref<16x1024xf32, #tpu.memory_space<hbm>> -> memref<1x32xf32, #tpu.memory_space<hbm>>
      %dma_start3A_388 = tpu.memref_squeeze %dma_start3A_387 : memref<1x32xf32, #tpu.memory_space<hbm>> -> memref<32xf32, #tpu.memory_space<hbm>>
      %dma_start3A_389 = arith.constant 288 : i32
      %dma_start3A_390 = tpu.memref_slice %arg7[%dma_start3A_389] : memref<512xf32, #tpu.memory_space<vmem>> -> memref<32xf32, #tpu.memory_space<vmem>>
      tpu.enqueue_dma source(%dma_start3A_390 : memref<32xf32, #tpu.memory_space<vmem>>) target(%dma_start3A_388 : memref<32xf32, #tpu.memory_space<hbm>>) target_semaphore(%run_scoped3A_382 : memref<!tpu.dma_semaphore, #tpu.memory_space<semaphore_mem>>)
      %dma_wait3A_391 = arith.constant 288 : i32
      %dma_wait3A_392 = tpu.memref_slice %arg7[%dma_wait3A_391] : memref<512xf32, #tpu.memory_space<vmem>> -> memref<32xf32, #tpu.memory_space<vmem>>
      %dma_wait3A_393 = tpu.memref_slice %arg4[%run_scoped3A_375, %mul3A_2] : memref<16x1024xf32, #tpu.memory_space<hbm>> -> memref<1x32xf32, #tpu.memory_space<hbm>>
      %dma_wait3A_394 = tpu.memref_squeeze %dma_wait3A_393 : memref<1x32xf32, #tpu.memory_space<hbm>> -> memref<32xf32, #tpu.memory_space<hbm>>
      %dma_wait3A_395 = tpu.memref_slice %arg4[%run_scoped3A_375, %mul3A_2] : memref<16x1024xf32, #tpu.memory_space<hbm>> -> memref<1x32xf32, #tpu.memory_space<hbm>>
      %dma_wait3A_396 = tpu.memref_squeeze %dma_wait3A_395 : memref<1x32xf32, #tpu.memory_space<hbm>> -> memref<32xf32, #tpu.memory_space<hbm>>
      %dma_wait3A_397 = arith.constant 288 : i32
      %dma_wait3A_398 = tpu.memref_slice %arg7[%dma_wait3A_397] : memref<512xf32, #tpu.memory_space<vmem>> -> memref<32xf32, #tpu.memory_space<vmem>>
      tpu.wait_dma2 semaphore(%run_scoped3A_382 : memref<!tpu.dma_semaphore, #tpu.memory_space<semaphore_mem>>) src(%dma_wait3A_398 : memref<32xf32, #tpu.memory_space<vmem>>) dst(%dma_wait3A_396 : memref<32xf32, #tpu.memory_space<hbm>>)
      tpu.yield
    }) : () -> ()
    %run_scoped3A_376 = arith.constant 10 : i32
    "tpu.region"() ({
      %run_scoped3A_382 = tpu.sem_alloc : memref<!tpu.dma_semaphore, #tpu.memory_space<semaphore_mem>>
      %dma_start3A_383 = arith.constant 320 : i32
      %dma_start3A_384 = tpu.memref_slice %arg7[%dma_start3A_383] : memref<512xf32, #tpu.memory_space<vmem>> -> memref<32xf32, #tpu.memory_space<vmem>>
      %dma_start3A_385 = tpu.memref_slice %arg4[%run_scoped3A_376, %mul3A_2] : memref<16x1024xf32, #tpu.memory_space<hbm>> -> memref<1x32xf32, #tpu.memory_space<hbm>>
      %dma_start3A_386 = tpu.memref_squeeze %dma_start3A_385 : memref<1x32xf32, #tpu.memory_space<hbm>> -> memref<32xf32, #tpu.memory_space<hbm>>
      %dma_start3A_387 = tpu.memref_slice %arg4[%run_scoped3A_376, %mul3A_2] : memref<16x1024xf32, #tpu.memory_space<hbm>> -> memref<1x32xf32, #tpu.memory_space<hbm>>
      %dma_start3A_388 = tpu.memref_squeeze %dma_start3A_387 : memref<1x32xf32, #tpu.memory_space<hbm>> -> memref<32xf32, #tpu.memory_space<hbm>>
      %dma_start3A_389 = arith.constant 320 : i32
      %dma_start3A_390 = tpu.memref_slice %arg7[%dma_start3A_389] : memref<512xf32, #tpu.memory_space<vmem>> -> memref<32xf32, #tpu.memory_space<vmem>>
      tpu.enqueue_dma source(%dma_start3A_390 : memref<32xf32, #tpu.memory_space<vmem>>) target(%dma_start3A_388 : memref<32xf32, #tpu.memory_space<hbm>>) target_semaphore(%run_scoped3A_382 : memref<!tpu.dma_semaphore, #tpu.memory_space<semaphore_mem>>)
      %dma_wait3A_391 = arith.constant 320 : i32
      %dma_wait3A_392 = tpu.memref_slice %arg7[%dma_wait3A_391] : memref<512xf32, #tpu.memory_space<vmem>> -> memref<32xf32, #tpu.memory_space<vmem>>
      %dma_wait3A_393 = tpu.memref_slice %arg4[%run_scoped3A_376, %mul3A_2] : memref<16x1024xf32, #tpu.memory_space<hbm>> -> memref<1x32xf32, #tpu.memory_space<hbm>>
      %dma_wait3A_394 = tpu.memref_squeeze %dma_wait3A_393 : memref<1x32xf32, #tpu.memory_space<hbm>> -> memref<32xf32, #tpu.memory_space<hbm>>
      %dma_wait3A_395 = tpu.memref_slice %arg4[%run_scoped3A_376, %mul3A_2] : memref<16x1024xf32, #tpu.memory_space<hbm>> -> memref<1x32xf32, #tpu.memory_space<hbm>>
      %dma_wait3A_396 = tpu.memref_squeeze %dma_wait3A_395 : memref<1x32xf32, #tpu.memory_space<hbm>> -> memref<32xf32, #tpu.memory_space<hbm>>
      %dma_wait3A_397 = arith.constant 320 : i32
      %dma_wait3A_398 = tpu.memref_slice %arg7[%dma_wait3A_397] : memref<512xf32, #tpu.memory_space<vmem>> -> memref<32xf32, #tpu.memory_space<vmem>>
      tpu.wait_dma2 semaphore(%run_scoped3A_382 : memref<!tpu.dma_semaphore, #tpu.memory_space<semaphore_mem>>) src(%dma_wait3A_398 : memref<32xf32, #tpu.memory_space<vmem>>) dst(%dma_wait3A_396 : memref<32xf32, #tpu.memory_space<hbm>>)
      tpu.yield
    }) : () -> ()
    %run_scoped3A_377 = arith.constant 11 : i32
    "tpu.region"() ({
      %run_scoped3A_382 = tpu.sem_alloc : memref<!tpu.dma_semaphore, #tpu.memory_space<semaphore_mem>>
      %dma_start3A_383 = arith.constant 352 : i32
      %dma_start3A_384 = tpu.memref_slice %arg7[%dma_start3A_383] : memref<512xf32, #tpu.memory_space<vmem>> -> memref<32xf32, #tpu.memory_space<vmem>>
      %dma_start3A_385 = tpu.memref_slice %arg4[%run_scoped3A_377, %mul3A_2] : memref<16x1024xf32, #tpu.memory_space<hbm>> -> memref<1x32xf32, #tpu.memory_space<hbm>>
      %dma_start3A_386 = tpu.memref_squeeze %dma_start3A_385 : memref<1x32xf32, #tpu.memory_space<hbm>> -> memref<32xf32, #tpu.memory_space<hbm>>
      %dma_start3A_387 = tpu.memref_slice %arg4[%run_scoped3A_377, %mul3A_2] : memref<16x1024xf32, #tpu.memory_space<hbm>> -> memref<1x32xf32, #tpu.memory_space<hbm>>
      %dma_start3A_388 = tpu.memref_squeeze %dma_start3A_387 : memref<1x32xf32, #tpu.memory_space<hbm>> -> memref<32xf32, #tpu.memory_space<hbm>>
      %dma_start3A_389 = arith.constant 352 : i32
      %dma_start3A_390 = tpu.memref_slice %arg7[%dma_start3A_389] : memref<512xf32, #tpu.memory_space<vmem>> -> memref<32xf32, #tpu.memory_space<vmem>>
      tpu.enqueue_dma source(%dma_start3A_390 : memref<32xf32, #tpu.memory_space<vmem>>) target(%dma_start3A_388 : memref<32xf32, #tpu.memory_space<hbm>>) target_semaphore(%run_scoped3A_382 : memref<!tpu.dma_semaphore, #tpu.memory_space<semaphore_mem>>)
      %dma_wait3A_391 = arith.constant 352 : i32
      %dma_wait3A_392 = tpu.memref_slice %arg7[%dma_wait3A_391] : memref<512xf32, #tpu.memory_space<vmem>> -> memref<32xf32, #tpu.memory_space<vmem>>
      %dma_wait3A_393 = tpu.memref_slice %arg4[%run_scoped3A_377, %mul3A_2] : memref<16x1024xf32, #tpu.memory_space<hbm>> -> memref<1x32xf32, #tpu.memory_space<hbm>>
      %dma_wait3A_394 = tpu.memref_squeeze %dma_wait3A_393 : memref<1x32xf32, #tpu.memory_space<hbm>> -> memref<32xf32, #tpu.memory_space<hbm>>
      %dma_wait3A_395 = tpu.memref_slice %arg4[%run_scoped3A_377, %mul3A_2] : memref<16x1024xf32, #tpu.memory_space<hbm>> -> memref<1x32xf32, #tpu.memory_space<hbm>>
      %dma_wait3A_396 = tpu.memref_squeeze %dma_wait3A_395 : memref<1x32xf32, #tpu.memory_space<hbm>> -> memref<32xf32, #tpu.memory_space<hbm>>
      %dma_wait3A_397 = arith.constant 352 : i32
      %dma_wait3A_398 = tpu.memref_slice %arg7[%dma_wait3A_397] : memref<512xf32, #tpu.memory_space<vmem>> -> memref<32xf32, #tpu.memory_space<vmem>>
      tpu.wait_dma2 semaphore(%run_scoped3A_382 : memref<!tpu.dma_semaphore, #tpu.memory_space<semaphore_mem>>) src(%dma_wait3A_398 : memref<32xf32, #tpu.memory_space<vmem>>) dst(%dma_wait3A_396 : memref<32xf32, #tpu.memory_space<hbm>>)
      tpu.yield
    }) : () -> ()
    %run_scoped3A_378 = arith.constant 12 : i32
    "tpu.region"() ({
      %run_scoped3A_382 = tpu.sem_alloc : memref<!tpu.dma_semaphore, #tpu.memory_space<semaphore_mem>>
      %dma_start3A_383 = arith.constant 384 : i32
      %dma_start3A_384 = tpu.memref_slice %arg7[%dma_start3A_383] : memref<512xf32, #tpu.memory_space<vmem>> -> memref<32xf32, #tpu.memory_space<vmem>>
      %dma_start3A_385 = tpu.memref_slice %arg4[%run_scoped3A_378, %mul3A_2] : memref<16x1024xf32, #tpu.memory_space<hbm>> -> memref<1x32xf32, #tpu.memory_space<hbm>>
      %dma_start3A_386 = tpu.memref_squeeze %dma_start3A_385 : memref<1x32xf32, #tpu.memory_space<hbm>> -> memref<32xf32, #tpu.memory_space<hbm>>
      %dma_start3A_387 = tpu.memref_slice %arg4[%run_scoped3A_378, %mul3A_2] : memref<16x1024xf32, #tpu.memory_space<hbm>> -> memref<1x32xf32, #tpu.memory_space<hbm>>
      %dma_start3A_388 = tpu.memref_squeeze %dma_start3A_387 : memref<1x32xf32, #tpu.memory_space<hbm>> -> memref<32xf32, #tpu.memory_space<hbm>>
      %dma_start3A_389 = arith.constant 384 : i32
      %dma_start3A_390 = tpu.memref_slice %arg7[%dma_start3A_389] : memref<512xf32, #tpu.memory_space<vmem>> -> memref<32xf32, #tpu.memory_space<vmem>>
      tpu.enqueue_dma source(%dma_start3A_390 : memref<32xf32, #tpu.memory_space<vmem>>) target(%dma_start3A_388 : memref<32xf32, #tpu.memory_space<hbm>>) target_semaphore(%run_scoped3A_382 : memref<!tpu.dma_semaphore, #tpu.memory_space<semaphore_mem>>)
      %dma_wait3A_391 = arith.constant 384 : i32
      %dma_wait3A_392 = tpu.memref_slice %arg7[%dma_wait3A_391] : memref<512xf32, #tpu.memory_space<vmem>> -> memref<32xf32, #tpu.memory_space<vmem>>
      %dma_wait3A_393 = tpu.memref_slice %arg4[%run_scoped3A_378, %mul3A_2] : memref<16x1024xf32, #tpu.memory_space<hbm>> -> memref<1x32xf32, #tpu.memory_space<hbm>>
      %dma_wait3A_394 = tpu.memref_squeeze %dma_wait3A_393 : memref<1x32xf32, #tpu.memory_space<hbm>> -> memref<32xf32, #tpu.memory_space<hbm>>
      %dma_wait3A_395 = tpu.memref_slice %arg4[%run_scoped3A_378, %mul3A_2] : memref<16x1024xf32, #tpu.memory_space<hbm>> -> memref<1x32xf32, #tpu.memory_space<hbm>>
      %dma_wait3A_396 = tpu.memref_squeeze %dma_wait3A_395 : memref<1x32xf32, #tpu.memory_space<hbm>> -> memref<32xf32, #tpu.memory_space<hbm>>
      %dma_wait3A_397 = arith.constant 384 : i32
      %dma_wait3A_398 = tpu.memref_slice %arg7[%dma_wait3A_397] : memref<512xf32, #tpu.memory_space<vmem>> -> memref<32xf32, #tpu.memory_space<vmem>>
      tpu.wait_dma2 semaphore(%run_scoped3A_382 : memref<!tpu.dma_semaphore, #tpu.memory_space<semaphore_mem>>) src(%dma_wait3A_398 : memref<32xf32, #tpu.memory_space<vmem>>) dst(%dma_wait3A_396 : memref<32xf32, #tpu.memory_space<hbm>>)
      tpu.yield
    }) : () -> ()
    %run_scoped3A_379 = arith.constant 13 : i32
    "tpu.region"() ({
      %run_scoped3A_382 = tpu.sem_alloc : memref<!tpu.dma_semaphore, #tpu.memory_space<semaphore_mem>>
      %dma_start3A_383 = arith.constant 416 : i32
      %dma_start3A_384 = tpu.memref_slice %arg7[%dma_start3A_383] : memref<512xf32, #tpu.memory_space<vmem>> -> memref<32xf32, #tpu.memory_space<vmem>>
      %dma_start3A_385 = tpu.memref_slice %arg4[%run_scoped3A_379, %mul3A_2] : memref<16x1024xf32, #tpu.memory_space<hbm>> -> memref<1x32xf32, #tpu.memory_space<hbm>>
      %dma_start3A_386 = tpu.memref_squeeze %dma_start3A_385 : memref<1x32xf32, #tpu.memory_space<hbm>> -> memref<32xf32, #tpu.memory_space<hbm>>
      %dma_start3A_387 = tpu.memref_slice %arg4[%run_scoped3A_379, %mul3A_2] : memref<16x1024xf32, #tpu.memory_space<hbm>> -> memref<1x32xf32, #tpu.memory_space<hbm>>
      %dma_start3A_388 = tpu.memref_squeeze %dma_start3A_387 : memref<1x32xf32, #tpu.memory_space<hbm>> -> memref<32xf32, #tpu.memory_space<hbm>>
      %dma_start3A_389 = arith.constant 416 : i32
      %dma_start3A_390 = tpu.memref_slice %arg7[%dma_start3A_389] : memref<512xf32, #tpu.memory_space<vmem>> -> memref<32xf32, #tpu.memory_space<vmem>>
      tpu.enqueue_dma source(%dma_start3A_390 : memref<32xf32, #tpu.memory_space<vmem>>) target(%dma_start3A_388 : memref<32xf32, #tpu.memory_space<hbm>>) target_semaphore(%run_scoped3A_382 : memref<!tpu.dma_semaphore, #tpu.memory_space<semaphore_mem>>)
      %dma_wait3A_391 = arith.constant 416 : i32
      %dma_wait3A_392 = tpu.memref_slice %arg7[%dma_wait3A_391] : memref<512xf32, #tpu.memory_space<vmem>> -> memref<32xf32, #tpu.memory_space<vmem>>
      %dma_wait3A_393 = tpu.memref_slice %arg4[%run_scoped3A_379, %mul3A_2] : memref<16x1024xf32, #tpu.memory_space<hbm>> -> memref<1x32xf32, #tpu.memory_space<hbm>>
      %dma_wait3A_394 = tpu.memref_squeeze %dma_wait3A_393 : memref<1x32xf32, #tpu.memory_space<hbm>> -> memref<32xf32, #tpu.memory_space<hbm>>
      %dma_wait3A_395 = tpu.memref_slice %arg4[%run_scoped3A_379, %mul3A_2] : memref<16x1024xf32, #tpu.memory_space<hbm>> -> memref<1x32xf32, #tpu.memory_space<hbm>>
      %dma_wait3A_396 = tpu.memref_squeeze %dma_wait3A_395 : memref<1x32xf32, #tpu.memory_space<hbm>> -> memref<32xf32, #tpu.memory_space<hbm>>
      %dma_wait3A_397 = arith.constant 416 : i32
      %dma_wait3A_398 = tpu.memref_slice %arg7[%dma_wait3A_397] : memref<512xf32, #tpu.memory_space<vmem>> -> memref<32xf32, #tpu.memory_space<vmem>>
      tpu.wait_dma2 semaphore(%run_scoped3A_382 : memref<!tpu.dma_semaphore, #tpu.memory_space<semaphore_mem>>) src(%dma_wait3A_398 : memref<32xf32, #tpu.memory_space<vmem>>) dst(%dma_wait3A_396 : memref<32xf32, #tpu.memory_space<hbm>>)
      tpu.yield
    }) : () -> ()
    %run_scoped3A_380 = arith.constant 14 : i32
    "tpu.region"() ({
      %run_scoped3A_382 = tpu.sem_alloc : memref<!tpu.dma_semaphore, #tpu.memory_space<semaphore_mem>>
      %dma_start3A_383 = arith.constant 448 : i32
      %dma_start3A_384 = tpu.memref_slice %arg7[%dma_start3A_383] : memref<512xf32, #tpu.memory_space<vmem>> -> memref<32xf32, #tpu.memory_space<vmem>>
      %dma_start3A_385 = tpu.memref_slice %arg4[%run_scoped3A_380, %mul3A_2] : memref<16x1024xf32, #tpu.memory_space<hbm>> -> memref<1x32xf32, #tpu.memory_space<hbm>>
      %dma_start3A_386 = tpu.memref_squeeze %dma_start3A_385 : memref<1x32xf32, #tpu.memory_space<hbm>> -> memref<32xf32, #tpu.memory_space<hbm>>
      %dma_start3A_387 = tpu.memref_slice %arg4[%run_scoped3A_380, %mul3A_2] : memref<16x1024xf32, #tpu.memory_space<hbm>> -> memref<1x32xf32, #tpu.memory_space<hbm>>
      %dma_start3A_388 = tpu.memref_squeeze %dma_start3A_387 : memref<1x32xf32, #tpu.memory_space<hbm>> -> memref<32xf32, #tpu.memory_space<hbm>>
      %dma_start3A_389 = arith.constant 448 : i32
      %dma_start3A_390 = tpu.memref_slice %arg7[%dma_start3A_389] : memref<512xf32, #tpu.memory_space<vmem>> -> memref<32xf32, #tpu.memory_space<vmem>>
      tpu.enqueue_dma source(%dma_start3A_390 : memref<32xf32, #tpu.memory_space<vmem>>) target(%dma_start3A_388 : memref<32xf32, #tpu.memory_space<hbm>>) target_semaphore(%run_scoped3A_382 : memref<!tpu.dma_semaphore, #tpu.memory_space<semaphore_mem>>)
      %dma_wait3A_391 = arith.constant 448 : i32
      %dma_wait3A_392 = tpu.memref_slice %arg7[%dma_wait3A_391] : memref<512xf32, #tpu.memory_space<vmem>> -> memref<32xf32, #tpu.memory_space<vmem>>
      %dma_wait3A_393 = tpu.memref_slice %arg4[%run_scoped3A_380, %mul3A_2] : memref<16x1024xf32, #tpu.memory_space<hbm>> -> memref<1x32xf32, #tpu.memory_space<hbm>>
      %dma_wait3A_394 = tpu.memref_squeeze %dma_wait3A_393 : memref<1x32xf32, #tpu.memory_space<hbm>> -> memref<32xf32, #tpu.memory_space<hbm>>
      %dma_wait3A_395 = tpu.memref_slice %arg4[%run_scoped3A_380, %mul3A_2] : memref<16x1024xf32, #tpu.memory_space<hbm>> -> memref<1x32xf32, #tpu.memory_space<hbm>>
      %dma_wait3A_396 = tpu.memref_squeeze %dma_wait3A_395 : memref<1x32xf32, #tpu.memory_space<hbm>> -> memref<32xf32, #tpu.memory_space<hbm>>
      %dma_wait3A_397 = arith.constant 448 : i32
      %dma_wait3A_398 = tpu.memref_slice %arg7[%dma_wait3A_397] : memref<512xf32, #tpu.memory_space<vmem>> -> memref<32xf32, #tpu.memory_space<vmem>>
      tpu.wait_dma2 semaphore(%run_scoped3A_382 : memref<!tpu.dma_semaphore, #tpu.memory_space<semaphore_mem>>) src(%dma_wait3A_398 : memref<32xf32, #tpu.memory_space<vmem>>) dst(%dma_wait3A_396 : memref<32xf32, #tpu.memory_space<hbm>>)
      tpu.yield
    }) : () -> ()
    %run_scoped3A_381 = arith.constant 15 : i32
    "tpu.region"() ({
      %run_scoped3A_382 = tpu.sem_alloc : memref<!tpu.dma_semaphore, #tpu.memory_space<semaphore_mem>>
      %dma_start3A_383 = arith.constant 480 : i32
      %dma_start3A_384 = tpu.memref_slice %arg7[%dma_start3A_383] : memref<512xf32, #tpu.memory_space<vmem>> -> memref<32xf32, #tpu.memory_space<vmem>>
      %dma_start3A_385 = tpu.memref_slice %arg4[%run_scoped3A_381, %mul3A_2] : memref<16x1024xf32, #tpu.memory_space<hbm>> -> memref<1x32xf32, #tpu.memory_space<hbm>>
      %dma_start3A_386 = tpu.memref_squeeze %dma_start3A_385 : memref<1x32xf32, #tpu.memory_space<hbm>> -> memref<32xf32, #tpu.memory_space<hbm>>
      %dma_start3A_387 = tpu.memref_slice %arg4[%run_scoped3A_381, %mul3A_2] : memref<16x1024xf32, #tpu.memory_space<hbm>> -> memref<1x32xf32, #tpu.memory_space<hbm>>
      %dma_start3A_388 = tpu.memref_squeeze %dma_start3A_387 : memref<1x32xf32, #tpu.memory_space<hbm>> -> memref<32xf32, #tpu.memory_space<hbm>>
      %dma_start3A_389 = arith.constant 480 : i32
      %dma_start3A_390 = tpu.memref_slice %arg7[%dma_start3A_389] : memref<512xf32, #tpu.memory_space<vmem>> -> memref<32xf32, #tpu.memory_space<vmem>>
      tpu.enqueue_dma source(%dma_start3A_390 : memref<32xf32, #tpu.memory_space<vmem>>) target(%dma_start3A_388 : memref<32xf32, #tpu.memory_space<hbm>>) target_semaphore(%run_scoped3A_382 : memref<!tpu.dma_semaphore, #tpu.memory_space<semaphore_mem>>)
      %dma_wait3A_391 = arith.constant 480 : i32
      %dma_wait3A_392 = tpu.memref_slice %arg7[%dma_wait3A_391] : memref<512xf32, #tpu.memory_space<vmem>> -> memref<32xf32, #tpu.memory_space<vmem>>
      %dma_wait3A_393 = tpu.memref_slice %arg4[%run_scoped3A_381, %mul3A_2] : memref<16x1024xf32, #tpu.memory_space<hbm>> -> memref<1x32xf32, #tpu.memory_space<hbm>>
      %dma_wait3A_394 = tpu.memref_squeeze %dma_wait3A_393 : memref<1x32xf32, #tpu.memory_space<hbm>> -> memref<32xf32, #tpu.memory_space<hbm>>
      %dma_wait3A_395 = tpu.memref_slice %arg4[%run_scoped3A_381, %mul3A_2] : memref<16x1024xf32, #tpu.memory_space<hbm>> -> memref<1x32xf32, #tpu.memory_space<hbm>>
      %dma_wait3A_396 = tpu.memref_squeeze %dma_wait3A_395 : memref<1x32xf32, #tpu.memory_space<hbm>> -> memref<32xf32, #tpu.memory_space<hbm>>
      %dma_wait3A_397 = arith.constant 480 : i32
      %dma_wait3A_398 = tpu.memref_slice %arg7[%dma_wait3A_397] : memref<512xf32, #tpu.memory_space<vmem>> -> memref<32xf32, #tpu.memory_space<vmem>>
      tpu.wait_dma2 semaphore(%run_scoped3A_382 : memref<!tpu.dma_semaphore, #tpu.memory_space<semaphore_mem>>) src(%dma_wait3A_398 : memref<32xf32, #tpu.memory_space<vmem>>) dst(%dma_wait3A_396 : memref<32xf32, #tpu.memory_space<hbm>>)
      tpu.yield
    }) : () -> ()
    return
  }
}

module attributes {stable_mosaic.version = 14 : i64} {
  func.func @_mm_body(%arg0: i32, %arg1: memref<16x2048xf32, #tpu.memory_space<vmem>>, %arg2: memref<16x1024xf32, #tpu.memory_space<vmem>>, %arg3: memref<100000x1024xf32, #tpu.memory_space<hbm>>, %arg4: memref<6x2048x1024xf32, #tpu.memory_space<vmem>>, %arg5: memref<6x!tpu.dma_semaphore, #tpu.memory_space<semaphore_mem>>) attributes {dimension_semantics = [#tpu.dimension_semantics<arbitrary>], iteration_bounds = array<i64: 49>, scalar_prefetch = 0 : i64, scratch_operands = 2 : i64, tpu.core_type = #tpu.core_type<tc>, window_params = [{transform_indices = @transform_0, window_bounds = array<i64: 16, 2048>}, {pipeline_mode = #tpu.pipeline_mode<synchronous>, transform_indices = @transform_1, window_bounds = array<i64: 16, 1024>}, {}]} {
    %rem3A = arith.constant 6 : i32
    %rem3A_0 = arith.remsi %arg0, %rem3A : i32
    %ge3A = arith.constant 6 : i32
    %ge3A_1 = arith.cmpi sge, %arg0, %ge3A : i32
    %convert_element_type3A = arith.extui %ge3A_1 : i1 to i32
    %cond3A = arith.constant 0 : i32
    %cond3A_2 = arith.cmpi ne, %convert_element_type3A, %cond3A : i32
    scf.if %cond3A_2 {
      %sub3A = arith.constant 6 : i32
      %sub3A_22 = arith.subi %arg0, %sub3A : i32
      %mul3A = arith.constant 2048 : i32
      %mul3A_23 = arith.muli %sub3A_22, %mul3A : i32
      %dma_wait3A = tpu.memref_slice %arg5[%rem3A_0] : memref<6x!tpu.dma_semaphore, #tpu.memory_space<semaphore_mem>> -> memref<1x!tpu.dma_semaphore, #tpu.memory_space<semaphore_mem>>
      %dma_wait3A_24 = tpu.memref_squeeze %dma_wait3A : memref<1x!tpu.dma_semaphore, #tpu.memory_space<semaphore_mem>> -> memref<!tpu.dma_semaphore, #tpu.memory_space<semaphore_mem>>
      %dma_wait3A_25 = arith.constant 0 : i32
      %dma_wait3A_26 = tpu.memref_slice %arg3[%mul3A_23, %dma_wait3A_25] : memref<100000x1024xf32, #tpu.memory_space<hbm>> -> memref<2048x1024xf32, #tpu.memory_space<hbm>>
      %dma_wait3A_27 = arith.constant 0 : i32
      %dma_wait3A_28 = arith.constant 0 : i32
      %dma_wait3A_29 = tpu.memref_slice %arg4[%rem3A_0, %dma_wait3A_27, %dma_wait3A_28] : memref<6x2048x1024xf32, #tpu.memory_space<vmem>> -> memref<1x2048x1024xf32, #tpu.memory_space<vmem>>
      %dma_wait3A_30 = tpu.memref_squeeze %dma_wait3A_29 : memref<1x2048x1024xf32, #tpu.memory_space<vmem>> -> memref<2048x1024xf32, #tpu.memory_space<vmem>>
      tpu.wait_dma2 semaphore(%dma_wait3A_24 : memref<!tpu.dma_semaphore, #tpu.memory_space<semaphore_mem>>) src(%dma_wait3A_30 : memref<2048x1024xf32, #tpu.memory_space<vmem>>) dst(%dma_wait3A_26 : memref<2048x1024xf32, #tpu.memory_space<hbm>>)
    } else {
    }
    %get3A = arith.constant 0 : index
    %get3A_3 = arith.constant 0 : index
    %get3A_4 = vector.load %arg1[%get3A, %get3A_3] : memref<16x2048xf32, #tpu.memory_space<vmem>>, vector<16x2048xf32>
    %get3A_5 = arith.constant 0 : index
    %get3A_6 = arith.constant 0 : index
    %get3A_7 = vector.load %arg2[%get3A_5, %get3A_6] : memref<16x1024xf32, #tpu.memory_space<vmem>>, vector<16x1024xf32>
    %dot_general3A = arith.constant dense<0.000000e+00> : vector<2048x1024xf32>
    %dot_general3A_8 = tpu.matmul %get3A_4, %get3A_7, %dot_general3A {dimension_numbers = #tpu.dot_dimension_numbers<[0], [0], [1], [1], [0, 1, 1, 1], [], []>, transpose_lhs_hint = false} : vector<16x2048xf32>, vector<16x1024xf32>, vector<2048x1024xf32> -> vector<2048x1024xf32>
    %swap3A = arith.index_cast %rem3A_0 : i32 to index
    %swap3A_9 = arith.constant 0 : index
    %swap3A_10 = arith.constant 0 : index
    %swap3A_11 = vector.load %arg4[%swap3A, %swap3A_9, %swap3A_10] : memref<6x2048x1024xf32, #tpu.memory_space<vmem>>, vector<1x2048x1024xf32>
    %swap3A_12 = vector.shape_cast %swap3A_11 : vector<1x2048x1024xf32> to vector<2048x1024xf32>
    %swap3A_13 = vector.shape_cast %dot_general3A_8 : vector<2048x1024xf32> to vector<1x2048x1024xf32>
    tpu.vector_store %arg4[%swap3A, %swap3A_9, %swap3A_10], %swap3A_13 {strides = array<i32>} : memref<6x2048x1024xf32, #tpu.memory_space<vmem>>, vector<1x2048x1024xf32>,
    %lt3A = arith.constant 48 : i32
    %lt3A_14 = arith.cmpi slt, %arg0, %lt3A : i32
    %convert_element_type3A_15 = arith.extui %lt3A_14 : i1 to i32
    %cond3A_16 = arith.constant 0 : i32
    %cond3A_17 = arith.cmpi ne, %convert_element_type3A_15, %cond3A_16 : i32
    scf.if %cond3A_17 {
      %mul3A = arith.constant 2048 : i32
      %mul3A_22 = arith.muli %arg0, %mul3A : i32
      %dma_start3A = tpu.memref_slice %arg5[%rem3A_0] : memref<6x!tpu.dma_semaphore, #tpu.memory_space<semaphore_mem>> -> memref<1x!tpu.dma_semaphore, #tpu.memory_space<semaphore_mem>>
      %dma_start3A_23 = tpu.memref_squeeze %dma_start3A : memref<1x!tpu.dma_semaphore, #tpu.memory_space<semaphore_mem>> -> memref<!tpu.dma_semaphore, #tpu.memory_space<semaphore_mem>>
      %dma_start3A_24 = arith.constant 0 : i32
      %dma_start3A_25 = tpu.memref_slice %arg3[%mul3A_22, %dma_start3A_24] : memref<100000x1024xf32, #tpu.memory_space<hbm>> -> memref<2048x1024xf32, #tpu.memory_space<hbm>>
      %dma_start3A_26 = arith.constant 0 : i32
      %dma_start3A_27 = arith.constant 0 : i32
      %dma_start3A_28 = tpu.memref_slice %arg4[%rem3A_0, %dma_start3A_26, %dma_start3A_27] : memref<6x2048x1024xf32, #tpu.memory_space<vmem>> -> memref<1x2048x1024xf32, #tpu.memory_space<vmem>>
      %dma_start3A_29 = tpu.memref_squeeze %dma_start3A_28 : memref<1x2048x1024xf32, #tpu.memory_space<vmem>> -> memref<2048x1024xf32, #tpu.memory_space<vmem>>
      tpu.enqueue_dma source(%dma_start3A_29 : memref<2048x1024xf32, #tpu.memory_space<vmem>>) target(%dma_start3A_25 : memref<2048x1024xf32, #tpu.memory_space<hbm>>) target_semaphore(%dma_start3A_23 : memref<!tpu.dma_semaphore, #tpu.memory_space<semaphore_mem>>)
    } else {
    }
    %eq3A = arith.constant 48 : i32
    %eq3A_18 = arith.cmpi eq, %arg0, %eq3A : i32
    %convert_element_type3A_19 = arith.extui %eq3A_18 : i1 to i32
    %cond3A_20 = arith.constant 0 : i32
    %cond3A_21 = arith.cmpi ne, %convert_element_type3A_19, %cond3A_20 : i32
    scf.if %cond3A_21 {
      %dma_start3A = tpu.memref_slice %arg5[%rem3A_0] : memref<6x!tpu.dma_semaphore, #tpu.memory_space<semaphore_mem>> -> memref<1x!tpu.dma_semaphore, #tpu.memory_space<semaphore_mem>>
      %dma_start3A_22 = tpu.memref_squeeze %dma_start3A : memref<1x!tpu.dma_semaphore, #tpu.memory_space<semaphore_mem>> -> memref<!tpu.dma_semaphore, #tpu.memory_space<semaphore_mem>>
      %dma_start3A_23 = arith.constant 98304 : i32
      %dma_start3A_24 = arith.constant 0 : i32
      %dma_start3A_25 = tpu.memref_slice %arg3[%dma_start3A_23, %dma_start3A_24] : memref<100000x1024xf32, #tpu.memory_space<hbm>> -> memref<1696x1024xf32, #tpu.memory_space<hbm>>
      %dma_start3A_26 = arith.constant 0 : i32
      %dma_start3A_27 = arith.constant 0 : i32
      %dma_start3A_28 = tpu.memref_slice %arg4[%rem3A_0, %dma_start3A_26, %dma_start3A_27] : memref<6x2048x1024xf32, #tpu.memory_space<vmem>> -> memref<1x1696x1024xf32, #tpu.memory_space<vmem>>
      %dma_start3A_29 = tpu.memref_squeeze %dma_start3A_28 : memref<1x1696x1024xf32, #tpu.memory_space<vmem>> -> memref<1696x1024xf32, #tpu.memory_space<vmem>>
      tpu.enqueue_dma source(%dma_start3A_29 : memref<1696x1024xf32, #tpu.memory_space<vmem>>) target(%dma_start3A_25 : memref<1696x1024xf32, #tpu.memory_space<hbm>>) target_semaphore(%dma_start3A_22 : memref<!tpu.dma_semaphore, #tpu.memory_space<semaphore_mem>>)
      %dma_wait3A = arith.constant 1 : i32
      %dma_wait3A_30 = arith.constant 1 : i32
      %dma_wait3A_31 = tpu.memref_slice %arg5[%dma_wait3A_30] : memref<6x!tpu.dma_semaphore, #tpu.memory_space<semaphore_mem>> -> memref<1x!tpu.dma_semaphore, #tpu.memory_space<semaphore_mem>>
      %dma_wait3A_32 = tpu.memref_squeeze %dma_wait3A_31 : memref<1x!tpu.dma_semaphore, #tpu.memory_space<semaphore_mem>> -> memref<!tpu.dma_semaphore, #tpu.memory_space<semaphore_mem>>
      %dma_wait3A_33 = arith.constant 88064 : i32
      %dma_wait3A_34 = arith.constant 0 : i32
      %dma_wait3A_35 = tpu.memref_slice %arg3[%dma_wait3A_33, %dma_wait3A_34] : memref<100000x1024xf32, #tpu.memory_space<hbm>> -> memref<2048x1024xf32, #tpu.memory_space<hbm>>
      %dma_wait3A_36 = arith.constant 0 : i32
      %dma_wait3A_37 = arith.constant 0 : i32
      %dma_wait3A_38 = tpu.memref_slice %arg4[%dma_wait3A, %dma_wait3A_36, %dma_wait3A_37] : memref<6x2048x1024xf32, #tpu.memory_space<vmem>> -> memref<1x2048x1024xf32, #tpu.memory_space<vmem>>
      %dma_wait3A_39 = tpu.memref_squeeze %dma_wait3A_38 : memref<1x2048x1024xf32, #tpu.memory_space<vmem>> -> memref<2048x1024xf32, #tpu.memory_space<vmem>>
      tpu.wait_dma2 semaphore(%dma_wait3A_32 : memref<!tpu.dma_semaphore, #tpu.memory_space<semaphore_mem>>) src(%dma_wait3A_39 : memref<2048x1024xf32, #tpu.memory_space<vmem>>) dst(%dma_wait3A_35 : memref<2048x1024xf32, #tpu.memory_space<hbm>>)
      %dma_wait3A_40 = arith.constant 2 : i32
      %dma_wait3A_41 = arith.constant 2 : i32
      %dma_wait3A_42 = tpu.memref_slice %arg5[%dma_wait3A_41] : memref<6x!tpu.dma_semaphore, #tpu.memory_space<semaphore_mem>> -> memref<1x!tpu.dma_semaphore, #tpu.memory_space<semaphore_mem>>
      %dma_wait3A_43 = tpu.memref_squeeze %dma_wait3A_42 : memref<1x!tpu.dma_semaphore, #tpu.memory_space<semaphore_mem>> -> memref<!tpu.dma_semaphore, #tpu.memory_space<semaphore_mem>>
      %dma_wait3A_44 = arith.constant 90112 : i32
      %dma_wait3A_45 = arith.constant 0 : i32
      %dma_wait3A_46 = tpu.memref_slice %arg3[%dma_wait3A_44, %dma_wait3A_45] : memref<100000x1024xf32, #tpu.memory_space<hbm>> -> memref<2048x1024xf32, #tpu.memory_space<hbm>>
      %dma_wait3A_47 = arith.constant 0 : i32
      %dma_wait3A_48 = arith.constant 0 : i32
      %dma_wait3A_49 = tpu.memref_slice %arg4[%dma_wait3A_40, %dma_wait3A_47, %dma_wait3A_48] : memref<6x2048x1024xf32, #tpu.memory_space<vmem>> -> memref<1x2048x1024xf32, #tpu.memory_space<vmem>>
      %dma_wait3A_50 = tpu.memref_squeeze %dma_wait3A_49 : memref<1x2048x1024xf32, #tpu.memory_space<vmem>> -> memref<2048x1024xf32, #tpu.memory_space<vmem>>
      tpu.wait_dma2 semaphore(%dma_wait3A_43 : memref<!tpu.dma_semaphore, #tpu.memory_space<semaphore_mem>>) src(%dma_wait3A_50 : memref<2048x1024xf32, #tpu.memory_space<vmem>>) dst(%dma_wait3A_46 : memref<2048x1024xf32, #tpu.memory_space<hbm>>)
      %dma_wait3A_51 = arith.constant 3 : i32
      %dma_wait3A_52 = arith.constant 3 : i32
      %dma_wait3A_53 = tpu.memref_slice %arg5[%dma_wait3A_52] : memref<6x!tpu.dma_semaphore, #tpu.memory_space<semaphore_mem>> -> memref<1x!tpu.dma_semaphore, #tpu.memory_space<semaphore_mem>>
      %dma_wait3A_54 = tpu.memref_squeeze %dma_wait3A_53 : memref<1x!tpu.dma_semaphore, #tpu.memory_space<semaphore_mem>> -> memref<!tpu.dma_semaphore, #tpu.memory_space<semaphore_mem>>
      %dma_wait3A_55 = arith.constant 92160 : i32
      %dma_wait3A_56 = arith.constant 0 : i32
      %dma_wait3A_57 = tpu.memref_slice %arg3[%dma_wait3A_55, %dma_wait3A_56] : memref<100000x1024xf32, #tpu.memory_space<hbm>> -> memref<2048x1024xf32, #tpu.memory_space<hbm>>
      %dma_wait3A_58 = arith.constant 0 : i32
      %dma_wait3A_59 = arith.constant 0 : i32
      %dma_wait3A_60 = tpu.memref_slice %arg4[%dma_wait3A_51, %dma_wait3A_58, %dma_wait3A_59] : memref<6x2048x1024xf32, #tpu.memory_space<vmem>> -> memref<1x2048x1024xf32, #tpu.memory_space<vmem>>
      %dma_wait3A_61 = tpu.memref_squeeze %dma_wait3A_60 : memref<1x2048x1024xf32, #tpu.memory_space<vmem>> -> memref<2048x1024xf32, #tpu.memory_space<vmem>>
      tpu.wait_dma2 semaphore(%dma_wait3A_54 : memref<!tpu.dma_semaphore, #tpu.memory_space<semaphore_mem>>) src(%dma_wait3A_61 : memref<2048x1024xf32, #tpu.memory_space<vmem>>) dst(%dma_wait3A_57 : memref<2048x1024xf32, #tpu.memory_space<hbm>>)
      %dma_wait3A_62 = arith.constant 4 : i32
      %dma_wait3A_63 = arith.constant 4 : i32
      %dma_wait3A_64 = tpu.memref_slice %arg5[%dma_wait3A_63] : memref<6x!tpu.dma_semaphore, #tpu.memory_space<semaphore_mem>> -> memref<1x!tpu.dma_semaphore, #tpu.memory_space<semaphore_mem>>
      %dma_wait3A_65 = tpu.memref_squeeze %dma_wait3A_64 : memref<1x!tpu.dma_semaphore, #tpu.memory_space<semaphore_mem>> -> memref<!tpu.dma_semaphore, #tpu.memory_space<semaphore_mem>>
      %dma_wait3A_66 = arith.constant 94208 : i32
      %dma_wait3A_67 = arith.constant 0 : i32
      %dma_wait3A_68 = tpu.memref_slice %arg3[%dma_wait3A_66, %dma_wait3A_67] : memref<100000x1024xf32, #tpu.memory_space<hbm>> -> memref<2048x1024xf32, #tpu.memory_space<hbm>>
      %dma_wait3A_69 = arith.constant 0 : i32
      %dma_wait3A_70 = arith.constant 0 : i32
      %dma_wait3A_71 = tpu.memref_slice %arg4[%dma_wait3A_62, %dma_wait3A_69, %dma_wait3A_70] : memref<6x2048x1024xf32, #tpu.memory_space<vmem>> -> memref<1x2048x1024xf32, #tpu.memory_space<vmem>>
      %dma_wait3A_72 = tpu.memref_squeeze %dma_wait3A_71 : memref<1x2048x1024xf32, #tpu.memory_space<vmem>> -> memref<2048x1024xf32, #tpu.memory_space<vmem>>
      tpu.wait_dma2 semaphore(%dma_wait3A_65 : memref<!tpu.dma_semaphore, #tpu.memory_space<semaphore_mem>>) src(%dma_wait3A_72 : memref<2048x1024xf32, #tpu.memory_space<vmem>>) dst(%dma_wait3A_68 : memref<2048x1024xf32, #tpu.memory_space<hbm>>)
      %dma_wait3A_73 = arith.constant 5 : i32
      %dma_wait3A_74 = arith.constant 5 : i32
      %dma_wait3A_75 = tpu.memref_slice %arg5[%dma_wait3A_74] : memref<6x!tpu.dma_semaphore, #tpu.memory_space<semaphore_mem>> -> memref<1x!tpu.dma_semaphore, #tpu.memory_space<semaphore_mem>>
      %dma_wait3A_76 = tpu.memref_squeeze %dma_wait3A_75 : memref<1x!tpu.dma_semaphore, #tpu.memory_space<semaphore_mem>> -> memref<!tpu.dma_semaphore, #tpu.memory_space<semaphore_mem>>
      %dma_wait3A_77 = arith.constant 96256 : i32
      %dma_wait3A_78 = arith.constant 0 : i32
      %dma_wait3A_79 = tpu.memref_slice %arg3[%dma_wait3A_77, %dma_wait3A_78] : memref<100000x1024xf32, #tpu.memory_space<hbm>> -> memref<2048x1024xf32, #tpu.memory_space<hbm>>
      %dma_wait3A_80 = arith.constant 0 : i32
      %dma_wait3A_81 = arith.constant 0 : i32
      %dma_wait3A_82 = tpu.memref_slice %arg4[%dma_wait3A_73, %dma_wait3A_80, %dma_wait3A_81] : memref<6x2048x1024xf32, #tpu.memory_space<vmem>> -> memref<1x2048x1024xf32, #tpu.memory_space<vmem>>
      %dma_wait3A_83 = tpu.memref_squeeze %dma_wait3A_82 : memref<1x2048x1024xf32, #tpu.memory_space<vmem>> -> memref<2048x1024xf32, #tpu.memory_space<vmem>>
      tpu.wait_dma2 semaphore(%dma_wait3A_76 : memref<!tpu.dma_semaphore, #tpu.memory_space<semaphore_mem>>) src(%dma_wait3A_83 : memref<2048x1024xf32, #tpu.memory_space<vmem>>) dst(%dma_wait3A_79 : memref<2048x1024xf32, #tpu.memory_space<hbm>>)
      %dma_wait3A_84 = arith.constant 0 : i32
      %dma_wait3A_85 = arith.constant 0 : i32
      %dma_wait3A_86 = tpu.memref_slice %arg5[%dma_wait3A_85] : memref<6x!tpu.dma_semaphore, #tpu.memory_space<semaphore_mem>> -> memref<1x!tpu.dma_semaphore, #tpu.memory_space<semaphore_mem>>
      %dma_wait3A_87 = tpu.memref_squeeze %dma_wait3A_86 : memref<1x!tpu.dma_semaphore, #tpu.memory_space<semaphore_mem>> -> memref<!tpu.dma_semaphore, #tpu.memory_space<semaphore_mem>>
      %dma_wait3A_88 = arith.constant 98304 : i32
      %dma_wait3A_89 = arith.constant 0 : i32
      %dma_wait3A_90 = tpu.memref_slice %arg3[%dma_wait3A_88, %dma_wait3A_89] : memref<100000x1024xf32, #tpu.memory_space<hbm>> -> memref<1696x1024xf32, #tpu.memory_space<hbm>>
      %dma_wait3A_91 = arith.constant 0 : i32
      %dma_wait3A_92 = arith.constant 0 : i32
      %dma_wait3A_93 = tpu.memref_slice %arg4[%dma_wait3A_84, %dma_wait3A_91, %dma_wait3A_92] : memref<6x2048x1024xf32, #tpu.memory_space<vmem>> -> memref<1x1696x1024xf32, #tpu.memory_space<vmem>>
      %dma_wait3A_94 = tpu.memref_squeeze %dma_wait3A_93 : memref<1x1696x1024xf32, #tpu.memory_space<vmem>> -> memref<1696x1024xf32, #tpu.memory_space<vmem>>
      tpu.wait_dma2 semaphore(%dma_wait3A_87 : memref<!tpu.dma_semaphore, #tpu.memory_space<semaphore_mem>>) src(%dma_wait3A_94 : memref<1696x1024xf32, #tpu.memory_space<vmem>>) dst(%dma_wait3A_90 : memref<1696x1024xf32, #tpu.memory_space<hbm>>)
    } else {
    }
    return
  }
  func.func @transform_0(%arg0: i32) -> (i32, i32) {
    %c0_i32 = arith.constant 0 : i32
    %c0_i32_0 = arith.constant 0 : i32
    return %c0_i32, %arg0 : i32, i32
  }
  func.func @transform_1(%arg0: i32) -> (i32, i32) {
    %c0_i32 = arith.constant 0 : i32
    %c0_i32_0 = arith.constant 0 : i32
    %c0_i32_1 = arith.constant 0 : i32
    return %c0_i32, %c0_i32_0 : i32, i32
  }
}

</mosaic_0001>

<sc_bundles>
// kernel: kernel.4.cloned.1.call-start
scs
__scs_entry_jumppad:
0x0: {  	(pc) =	sbr.rel $0x88, $3  }
0x1: {  	(tag) =	ssettag $0x0;
	lr =	simm.s32 $0x1  }
0x2: {  	[smem:$0x3F9E] =	sst lr;
	_ =	strace $0xD0000000  }
0x3: {  	_ = 	snop  }
0x4: {  	_ = 	snop  }
0x5: {  	_ = 	snop  }
0x6: {  	_ = 	snop  }
0x7: {  	_ = 	snop  }
__scs_overlays_trampoline_lowered:
0x8: {  	[smem:$0x3FAD] =	sst s0  }
0x9: {  	[smem:$0x3FAE] =	sst s1  }
0xa: {  	[smem:$0x3FAF] =	sst s2  }
0xb: {  	[smem:$0x3FB0] =	sst s3  }
0xc: {  	[smem:$0x3FB1] =	sst s4  }
0xd: {  	[smem:$0x3FB2] =	sst s5  }
0xe: {  	[smem:$0x3FB3] =	sst s6  }
0xf: {  	[smem:$0x3FB4] =	sst s7  }
0x10: {  	[smem:$0x3FB5] =	sst s8  }
0x11: {  	[smem:$0x3FB6] =	sst s9;
	s0 =	simm.s32 @!p0 $0x0  }
0x12: {  	s1 =	sld [smem:$0x3F9C];
	s0 =	simm.s32 @p0 $0x1  }
0x13: {  	[smem:$0x3FB7] =	sst s0;
	s0 =	simm.s32 @!p1 $0x0  }
0x14: {  	s2 =	sld [smem:$0x3F9B];
	s0 =	simm.s32 @p1 $0x1  }
0x15: {  	[smem:$0x3FB8] =	sst s0;
	s0 =	simm.s32 @!p2 $0x0  }
0x16: {  	s3 =	sld [smem:$0x3FDB];
	s0 =	simm.s32 @p2 $0x1  }
0x17: {  	s4 =	simm.s32 $0x1BF5;
	[smem:$0x3FBA] =	sst s0  }
0x18: {  	s0 =	sld [smem:$0x3F9D];
	_ =	swait.ge [sflag:s4], $0x0  }
0x19: {  	s7 =	sld [smem:$0x3F9E]  }
0x1a: {  	s8 =	sadd.s32 $0xFFFFE003, lr  }
0x1b: {  	s9 =	sadd.s32 $0xFFFFFEF7, lr;
	s5 =	simm.s32 $0xFFFFFFFF;
	p2 =	slt.u32 s8, $0xFFFFF086  }
0x1c: {  	p1 =	slt.u32 s9, $0xF7A;
	s5 =	simm.s32 @!p2 $0x0  }
0x1d: {  	s5 =	simm.s32 @p1 $0x1;
	p0 =	seq.s32 s7, s2  }
0x1e: {  	s7 =	smul.u32 @!p0 $0xF7A, s2;
	p2 =	seq.s32 @!p0 s5, $0x0  }
0x1f: {  	s9 =	smul.u32 $0xF7A, s1;
	s8 =	simm.s32 @!p0 $0x1BF5;
	p2 =	por !p2, p0  }
0x20: {  	[sflag:s8] =	ssyncset.s32 @!p0 $0xFFFFF086;
	s6 =	sadd.s32 @!p0 s3, s7;
	s7 =	simm.s32 @!p0 $0x108  }
0x21: {  	s3 =	sadd.s32 s3, s9;
	s6 =	sadd.s32 @!p0 $0x88, s6;
	s7 =	simm.s32 @p2 $0x1082  }
0x22: {  	[simem:s7], [sflag:s8] =	dma.local @!p0 [hbm:s6], $0xF7A  }
0x23: {  	s9 =	sor.u32 $0xD0000000, s2;
	s6 =	simm.s32 $0x108;
	_ =	swait.ge @!p0 [sflag:s8], $0x0  }
0x24: {  	s3 =	sadd.s32 $0x88, s3;
	s6 =	simm.s32 @!p1 $0x1082;
	[sflag:s4] =	ssyncset.s32 $0xFFFFF086  }
0x25: {  	[simem:s6], [sflag:s4] =	dma.local [hbm:s3], $0xF7A  }
0x26: {  	[smem:$0x3F9E] =	sst s1;
	(tag) =	ssettag s2;
	_ =	strace s9  }
0x27: {  	s1 =	sld [smem:$0x3FAE]  }
0x28: {  	s2 =	sld [smem:$0x3FAF]  }
0x29: {  	s4 =	sld [smem:$0x3FB1]  }
0x2a: {  	p0 =	seq.s32 s5, $0x0;
	s5 =	sld [smem:$0x3FB2]  }
0x2b: {  	s6 =	sld [smem:$0x3FB3]  }
0x2c: {  	s7 =	sld [smem:$0x3FB4]  }
0x2d: {  	s3 =	simm.s32 $0x108;
	s8 =	sld [smem:$0x3FB5]  }
0x2e: {  	s3 =	simm.s32 @!p0 $0x1082;
	s9 =	sld [smem:$0x3FB6]  }
0x2f: {  	lr =	sadd.s32 s0, s3;
	s0 =	sld [smem:$0x3FAD]  }
0x30: {  	s3 =	sld [smem:$0x3FB0]  }
0x31: {  	[smem:$0x3FB9] =	sst s10  }
0x32: {  	s10 =	sld [smem:$0x3FB7];
	_ =	sdelay $0x3  }
0x33: {  	p0 =	seq.s32 s10, $0x1;
	s10 =	sld [smem:$0x3FB9];
	_ =	sdelay $0x3  }
0x34: {  	[smem:$0x3FB9] =	sst s10  }
0x35: {  	s10 =	sld [smem:$0x3FB8];
	_ =	sdelay $0x3  }
0x36: {  	p1 =	seq.s32 s10, $0x1;
	s10 =	sld [smem:$0x3FB9];
	_ =	sdelay $0x3  }
0x37: {  	[smem:$0x3FB9] =	sst s10  }
0x38: {  	s10 =	sld [smem:$0x3FBA]  }
0x39: {  	_ = 	snop;
	(pc) =	sbr.ind lr, $3  }
0x3a: {  	_ = 	snop  }
0x3b: {  	_ = 	snop  }
0x3c: {  	p2 =	seq.s32 s10, $0x1;
	s10 =	sld [smem:$0x3FB9]  }
0x3d: {  	_ =	shalt  }
0x3e: {  	_ =	shalt  }
0x3f: {  	_ =	shalt  }
0x40: {  	_ =	shalt  }
0x41: {  	_ =	shalt  }
0x42: {  	_ =	shalt  }
0x43: {  	_ =	shalt  }
0x44: {  	_ =	shalt  }
0x45: {  	_ =	shalt  }
0x46: {  	_ =	shalt  }
0x47: {  	_ =	shalt  }
0x48: {  	_ =	shalt  }
0x49: {  	_ =	shalt  }
0x4a: {  	_ =	shalt  }
0x4b: {  	_ =	shalt  }
0x4c: {  	_ =	shalt  }
0x4d: {  	_ =	shalt  }
0x4e: {  	_ =	shalt  }
0x4f: {  	_ =	shalt  }
0x50: {  	_ =	shalt  }
0x51: {  	_ =	shalt  }
0x52: {  	_ =	shalt  }
0x53: {  	_ =	shalt  }
0x54: {  	_ =	shalt  }
0x55: {  	_ =	shalt  }
0x56: {  	_ =	shalt  }
0x57: {  	_ =	shalt  }
0x58: {  	_ =	shalt  }
0x59: {  	_ =	shalt  }
0x5a: {  	_ =	shalt  }
0x5b: {  	_ =	shalt  }
0x5c: {  	_ =	shalt  }
0x5d: {  	_ =	shalt  }
0x5e: {  	_ =	shalt  }
0x5f: {  	_ =	shalt  }
0x60: {  	_ =	shalt  }
0x61: {  	_ =	shalt  }
0x62: {  	_ =	shalt  }
0x63: {  	_ =	shalt  }
0x64: {  	_ =	shalt  }
0x65: {  	_ =	shalt  }
0x66: {  	_ =	shalt  }
0x67: {  	_ =	shalt  }
0x68: {  	_ =	shalt  }
0x69: {  	_ =	shalt  }
0x6a: {  	_ =	shalt  }
0x6b: {  	_ =	shalt  }
0x6c: {  	_ =	shalt  }
0x6d: {  	_ =	shalt  }
0x6e: {  	_ =	shalt  }
0x6f: {  	_ =	shalt  }
0x70: {  	_ =	shalt  }
0x71: {  	_ =	shalt  }
0x72: {  	_ =	shalt  }
0x73: {  	_ =	shalt  }
0x74: {  	_ =	shalt  }
0x75: {  	_ =	shalt  }
0x76: {  	_ =	shalt  }
0x77: {  	_ =	shalt  }
0x78: {  	_ =	shalt  }
0x79: {  	_ =	shalt  }
0x7a: {  	_ =	shalt  }
0x7b: {  	_ =	shalt  }
0x7c: {  	_ =	shalt  }
0x7d: {  	_ =	shalt  }
0x7e: {  	_ =	shalt  }
0x7f: {  	_ =	shalt  }
0x80: {  	_ =	shalt  }
0x81: {  	_ =	shalt  }
0x82: {  	_ =	shalt  }
0x83: {  	_ =	shalt  }
0x84: {  	_ =	shalt  }
0x85: {  	_ =	shalt  }
0x86: {  	_ =	shalt  }
0x87: {  	_ =	shalt  }
.Lfunc_end0:
.L_simem_size_0:
called_computation_lowered:
.L_overlay_start_0:
0x88: {  	s2 =	sld [smem:$0x3FD9]  }
0x89: {  	s3 =	sld [smem:$0x3FFE];
	_ =	sdelay $0x1  }
0x8a: {  	s1 =	srdreg.scid  }
0x8b: {  	s0 =	sand.u32 $0x1, s1  }
0x8c: {  	s17 =	sshll.u32 s0, $0xA;
	s2 =	sadd.s32 s3, s2  }
0x8d: {  	s2 =	sadd.s32 s2, s17  }
0x8e: {  	[smem:$0x3FC5] =	sst s2  }
0x8f: {  	_ = 	snop  }
0x90: {  	s2 =	sld [smem:$0x3FC9]  }
0x91: {  	s18 =	sld [smem:$0x3FD0];
	(tm) =	ssettm $0x1  }
0x92: {  	s4 =	sld [smem:$0x3FFB];
	_ =	sdelay $0x3  }
0x93: {  	_ =	strace s4  }
0x94: {  	s4 =	sld [smem:$0x3FFC];
	_ =	sdelay $0x3  }
0x95: {  	_ =	strace s4  }
0x96: {  	s4 =	sld [smem:$0x3FFD];
	_ =	sdelay $0x3  }
0x97: {  	_ =	strace s4  }
0x98: {  	_ =	strace $0x8FFFFFFF  }
0x99: {  	s19 =	sld [smem:$0x3FDB];
	_ =	sdelay $0x1  }
0x9a: {  	s5 =	simm.s32 $_scs_section_size  }
0x9b: {  	s6 =	simm.s32 $_size__tile_overlayer_lowered;
	s7 =	simm.s32 $_tile_overlayer_lowered  }
0x9c: {  	s22 =	simm.s32 $0x1BFF;
	s21 =	sshll.u32 s7, $0x1;
	s4 =	sadd.s32 s5, s19  }
0x9d: {  	s8 =	simm.s32 $0x0;
	s20 =	sshll.u32 s6, $0x1;
	s6 =	sadd.s32 s21, s4  }
0x9e: {  	[timem:s8], [sflag:s22] =	dma.local [hbm:s6], s20  }
0x9f: {  	_ =	swait.ge [sflag:s22], s20  }
0xa0: {  	s5 =	ssub.s32 $0x0, s20;
	[sflag:s22] =	ssyncset.done $0x0  }
0xa1: {  	[sflag:s22] =	ssyncadd.s32 s5;
	_ =	sdelay $0x1  }
0xa2: {  	s23 =	simm.s32 $0x1B8B  }
0xa3: {  	_ =	swait.ge [sflag:s23], $0x1  }
0xa4: {  	[sflag:s23] =	ssyncset.done $0x0  }
0xa5: {  	s25 =	simm.s32 $0x1B8E;
	s24 =	sld [smem:$0x3FFE];
	[sflag:s23] =	ssyncadd.s32 $0xFFFFFFFF  }
0xa6: {  	s26 =	simm.s32 $execute0_lowered;
	[smem:$0x3FD2] =	sst s25  }
0xa7: {  	s6 =	sshll.u32 s26, $0x1;
	_ =	strace $0x80000046;
	[dreg:$0x1] =	wrdreg $0xFFFFFFFF  }
0xa8: {  	s28 =	simm.s32 $_size_execute0_lowered;
	s4 =	sadd.s32 s4, s6;
	[dreg:$0x0] =	wrdreg $0x0  }
0xa9: {  	s6 =	sshll.u32 s28, $0x1;
	[dreg:$0x2] =	wrdreg s4  }
0xaa: {  	[dreg:$0x3] =	wrdreg s6  }
0xab: {  	[dreg:$0x4] =	wrdreg $0xC0  }
0xac: {  	_ =	task [dreg:s8], $0x5FFFF  }
0xad: {  	[dreg:$0x1] =	wrdreg $0xFFFFFFFF  }
0xae: {  	[dreg:$0x0] =	wrdreg $0x60  }
0xaf: {  	[dreg:$0x2] =	wrdreg s2  }
0xb0: {  	[dreg:$0x3] =	wrdreg s18  }
0xb1: {  	[dreg:$0x4] =	wrdreg s24  }
0xb2: {  	[dreg:$0x5] =	wrdreg $0x9  }
0xb3: {  	_ =	task.clear_ibuf [dreg:s8], $0x6FFFF;
	_ =	strace $0x90000046  }
0xb4: {  	s29 =	simm.s32 $0x9;
	_ =	strace $0x80000048  }
0xb5: {  	_ =	swait.ge [sflag:s29], $0x1  }
0xb6: {  	[sflag:s29] =	ssyncadd.s32 $0xFFFFFFFF  }
0xb7: {  	_ =	strace $0x90000048  }
0xb8: {  	_ =	sfence  }
0xb9: {  	s30 =	sld [smem:$0x0];
	_ =	sdelay $0x2  }
0xba: {  	s31 =	sshll.u32 s1, $0xD;
	s1 =	sshrl.u32 s1, $0x2  }
0xbb: {  	s3 =	sand.u32 $0x4000, s31;
	s1 =	sadd.s32 s1, s30  }
0xbc: {  	s0 =	sor.u32 s3, s0;
	s1 =	sshll.u32 s1, $0x11  }
0xbd: {  	s0 =	sor.u32 s1, s0  }
0xbe: {  	s0 =	sadd.s32 $0x8F2B, s0  }
0xbf: {  	[sflag:s0] =	ssyncadd.remote.s32 $0x1  }
0xc0: {  	_ =	sfence.sel $0xFFFF  }
0xc1: {  	[dreg:$0x0] =	wrdreg $0xFFFFFFFF;
	(pc) =	sbr.abs _section_cstart, $3  }
0xc2: {  	[dreg:$0x1] =	wrdreg $0xFFFFFFFF  }
0xc3: {  	_ =	task.clear_ibuf [dreg:s8], $0x2FFFF;
	_ =	strace $0x9FFFFFFF  }
0xc4: {  	(tm) =	ssettm $0x7FFFFFFF  }
0xc5: {  	_ =	shalt  }
tec
execute0_lowered:
.L_overlay_start_1:
0x0: {  	(tag) =	ssettag $0x1  }
0x1: {  	s2 =	srdreg.scid  }
0x2: {  	s1 =	rddreg [dreg:$0x0];
	s4 =	stileid.u32;
	s18 =	sand.u32 $0x1, s2  }
0x3: {  	s3 =	rddreg [dreg:$0x1];
	s4 =	sshll.u32 s4, $0x3;
	s5 =	sshll.u32 s18, $0x2  }
0x4: {  	s0 =	rddreg [dreg:$0x2];
	s2 =	simm.s32 $0x0;
	s4 =	sor.u32 s5, s4  }
0x5: {  	[smem:$0x7FF] =	sst s2;
	s0 =	sadd.s32 s4, s0;
	s1 =	sadd.s32 s1, s4  }
0x6: {  	_ =	strace $0x80000047;
	[dreg:$0x4] =	wrdreg s1;
	s9 =	sadd.s32 $0x400, s0  }
0x7: {  	s10 =	sadd.s32 $0x480, s0;
	[dreg:$0x5] =	wrdreg s9  }
0x8: {  	s11 =	sadd.s32 $0x500, s0;
	[dreg:$0x6] =	wrdreg s10  }
0x9: {  	s12 =	sadd.s32 $0x580, s0;
	[dreg:$0x7] =	wrdreg s11  }
0xa: {  	s13 =	sadd.s32 $0x600, s0;
	[dreg:$0x8] =	wrdreg s12  }
0xb: {  	s14 =	sadd.s32 $0x680, s0;
	[dreg:$0x9] =	wrdreg s13  }
0xc: {  	s15 =	sadd.s32 $0x700, s0;
	[dreg:$0xa] =	wrdreg s14  }
0xd: {  	s16 =	sadd.s32 $0x780, s0;
	[dreg:$0xb] =	wrdreg s15  }
0xe: {  	s17 =	sadd.s32 $0x800, s0;
	[dreg:$0xc] =	wrdreg s16  }
0xf: {  	s19 =	sadd.s32 $0x880, s0;
	[dreg:$0xd] =	wrdreg s17  }
0x10: {  	[dreg:$0xe] =	wrdreg s19  }
0x11: {  	s20 =	sadd.s32 $0x900, s0;
	s21 =	rddreg [dreg:$0x4]  }
0x12: {  	s22 =	sadd.s32 $0x980, s0;
	[dreg:$0xf] =	wrdreg s20  }
0x13: {  	s4 =	simm.s32 $0x2;
	[dreg:$0x10] =	wrdreg s22  }
0x14: {  	[tilespmem:s2], [sflag:$0x2] =	stream.linear.gather [hbm4b:s21+s2], $0x20, $0x38;
	[tilespmem:$0x420] =	vst v63  }
0x15: {  	_ =	swait.ge [sflag:s4], $0x20  }
0x16: {  	[sflag:s4] =	ssyncset.done $0x0  }
0x17: {  	[sflag:s4] =	ssyncadd.s32 $0xFFFFFFE0  }
0x18: {  	v0 =	vld [tilespmem:$0x0]  }
0x19: {  	v1 =	vld [tilespmem:$0x10]  }
0x1a: {  	v61 =	vld [tilespmem:$0x10]  }
0x1b: {  	v2 =	vld [tilespmem:$0x0]  }
0x1c: {  	v3 =	vld [tilespmem:$0x10]  }
0x1d: {  	v4 =	vld [tilespmem:$0x0]  }
0x1e: {  	v5 =	vld [tilespmem:$0x10];
	[tilespmem:$0x20] =	vst v0  }
0x1f: {  	v32 =	vld [tilespmem:$0x0];
	v1 =	vadd.s32 $0x155CC0, v1;
	[tilespmem:$0x30] =	vst v61  }
0x20: {  	v6 =	vld [tilespmem:$0x0];
	v33 =	vadd.s32 $0x16E360, v2;
	[tilespmem:$0x1F0] =	vst v1  }
0x21: {  	v35 =	vld [tilespmem:$0x10];
	v34 =	vadd.s32 $0xF4240, v3;
	[tilespmem:$0x200] =	vst v33  }
0x22: {  	v38 =	vld [tilespmem:$0x10];
	v37 =	vadd.s32 $0x155CC0, v4;
	[tilespmem:$0x170] =	vst v34  }
0x23: {  	v39 =	vld [tilespmem:$0x0];
	v5 =	vadd.s32 $0x13D620, v5;
	[tilespmem:$0x1E0] =	vst v37  }
0x24: {  	v44 =	vld [tilespmem:$0x10];
	v0 =	vadd.s32 $0x13D620, v32;
	[tilespmem:$0x1D0] =	vst v5  }
0x25: {  	v48 =	vld [tilespmem:$0x10];
	v6 =	vadd.s32 $0x124F80, v6;
	[tilespmem:$0x1C0] =	vst v0  }
0x26: {  	v58 =	vld [tilespmem:$0x10];
	v3 =	vadd.s32 $0x10C8E0, v35;
	[tilespmem:$0x1A0] =	vst v6  }
0x27: {  	v60 =	vld [tilespmem:$0x10];
	v43 =	vadd.s32 $0x927C0, v38;
	[tilespmem:$0x190] =	vst v3  }
0x28: {  	v36 =	vld [tilespmem:$0x0];
	v2 =	vadd.s32 $0xF4240, v39;
	[tilespmem:$0xF0] =	vst v43  }
0x29: {  	v40 =	vld [tilespmem:$0x10];
	v4 =	vadd.s32 $0xAAE60, v44;
	[tilespmem:$0x160] =	vst v2  }
0x2a: {  	v41 =	vld [tilespmem:$0x0];
	v53 =	vadd.s32 $0x7A120, v48;
	[tilespmem:$0x110] =	vst v4  }
0x2b: {  	v42 =	vld [tilespmem:$0x0];
	v62 =	vadd.s32 $0x124F80, v58;
	[tilespmem:$0xD0] =	vst v53  }
0x2c: {  	v46 =	vld [tilespmem:$0x10];
	v63 =	vadd.s32 $0x61A80, v60;
	[tilespmem:$0x1B0] =	vst v62  }
0x2d: {  	v47 =	vld [tilespmem:$0x0];
	v1 =	vadd.s32 $0x10C8E0, v36;
	[tilespmem:$0xB0] =	vst v63  }
0x2e: {  	v51 =	vld [tilespmem:$0x10];
	v5 =	vadd.s32 $0xDBBA0, v40;
	[tilespmem:$0x180] =	vst v1  }
0x2f: {  	v45 =	vld [tilespmem:$0x0];
	v0 =	vadd.s32 $0xDBBA0, v41;
	[tilespmem:$0x150] =	vst v5  }
0x30: {  	v49 =	vld [tilespmem:$0x0];
	v6 =	vadd.s32 $0xC3500, v42;
	[tilespmem:$0x140] =	vst v0  }
0x31: {  	v50 =	vld [tilespmem:$0x0];
	v3 =	vadd.s32 $0x30D40, v46;
	[tilespmem:$0x120] =	vst v6  }
0x32: {  	v54 =	vld [tilespmem:$0x10];
	v2 =	vadd.s32 $0x927C0, v47;
	[tilespmem:$0x70] =	vst v3  }
0x33: {  	v55 =	vld [tilespmem:$0x0];
	v4 =	vadd.s32 $0x493E0, v51;
	[tilespmem:$0xE0] =	vst v2  }
0x34: {  	v56 =	vld [tilespmem:$0x10];
	v1 =	vadd.s32 $0xAAE60, v45;
	[tilespmem:$0x90] =	vst v4  }
0x35: {  	v52 =	vld [tilespmem:$0x0];
	v0 =	vadd.s32 $0x7A120, v49;
	[tilespmem:$0x100] =	vst v1  }
0x36: {  	v57 =	vld [tilespmem:$0x0];
	v6 =	vadd.s32 $0x61A80, v50;
	[tilespmem:$0xC0] =	vst v0  }
0x37: {  	v59 =	vld [tilespmem:$0x10];
	v2 =	vadd.s32 $0x16E360, v54;
	[tilespmem:$0xA0] =	vst v6  }
0x38: {  	v5 =	vadd.s32 $0x30D40, v55;
	[tilespmem:$0x210] =	vst v2  }
0x39: {  	v3 =	vadd.s32 $0x186A0, v56;
	[tilespmem:$0x60] =	vst v5  }
0x3a: {  	v1 =	vadd.s32 $0x493E0, v52;
	[tilespmem:$0x50] =	vst v3  }
0x3b: {  	v0 =	vadd.s32 $0x186A0, v57;
	[tilespmem:$0x80] =	vst v1  }
0x3c: {  	[tilespmem:$0x40] =	vst v0;
	v1 =	vadd.s32 $0xC3500, v59  }
0x3d: {  	s6 =	simm.s32 $0x80;
	s7 =	simm.s32 $0x20;
	s8 =	simm.s32 $0x220;
	[tilespmem:$0x130] =	vst v1  }
0x3e: {  	[tilespmem:s8], [sflag:$0x1] =	stream.indirect.gather [hbm4b:s3+s6], $0x1, s7, s6, $0xb8;
	[tilespmem:$0x420] =	vst v63  }
0x3f: {  	s9 =	simm.s32 $0xA0;
	s10 =	simm.s32 $0x2A0  }
0x40: {  	[tilespmem:s10], [sflag:$0x1] =	stream.indirect.gather [hbm4b:s3+s6], $0x1, s9, s6, $0xb8;
	[tilespmem:$0x420] =	vst v63  }
0x41: {  	s11 =	simm.s32 $0x120;
	s12 =	simm.s32 $0x320  }
0x42: {  	[tilespmem:s12], [sflag:$0x1] =	stream.indirect.gather [hbm4b:s3+s6], $0x1, s11, s6, $0xb8;
	[tilespmem:$0x420] =	vst v63  }
0x43: {  	s5 =	simm.s32 $0x3A0;
	s13 =	simm.s32 $0x1A0;
	s14 =	simm.s32 $0x1  }
0x44: {  	[tilespmem:s5], [sflag:$0x1] =	stream.indirect.gather [hbm4b:s3+s6], $0x1, s13, s6, $0xb8;
	[tilespmem:$0x420] =	vst v63  }
0x45: {  	_ =	swait.ge [sflag:s14], $0x80  }
0x46: {  	[sflag:s14] =	ssyncset.done $0x0  }
0x47: {  	[sflag:s14] =	ssyncadd.s32 $0xFFFFFF80  }
0x48: {  	_ =	swait.ge [sflag:s14], $0x80  }
0x49: {  	[sflag:s14] =	ssyncset.done $0x0  }
0x4a: {  	[sflag:s14] =	ssyncadd.s32 $0xFFFFFF80  }
0x4b: {  	_ =	swait.ge [sflag:s14], $0x80  }
0x4c: {  	[sflag:s14] =	ssyncset.done $0x0  }
0x4d: {  	[sflag:s14] =	ssyncadd.s32 $0xFFFFFF80  }
0x4e: {  	_ =	swait.ge [sflag:s14], $0x80  }
0x4f: {  	[sflag:s14] =	ssyncset.done $0x0  }
0x50: {  	s23 =	rddreg [dreg:$0x5];
	[sflag:s14] =	ssyncadd.s32 $0xFFFFFF80  }
0x51: {  	[hbm4b:s23+s2] =	stream.linear.scatter [tilespmem:s8], [sflag:$0x2], $0x20, $0x38;
	[tilespmem:$0x420] =	vst v63  }
0x52: {  	_ =	swait.ge [sflag:s4], $0x20  }
0x53: {  	[sflag:s4] =	ssyncset.done $0x0  }
0x54: {  	s15 =	simm.s32 $0x240;
	s24 =	rddreg [dreg:$0x6];
	[sflag:s4] =	ssyncadd.s32 $0xFFFFFFE0  }
0x55: {  	[hbm4b:s24+s2] =	stream.linear.scatter [tilespmem:s15], [sflag:$0x2], $0x20, $0x38;
	[tilespmem:$0x420] =	vst v63  }
0x56: {  	_ =	swait.ge [sflag:s4], $0x20  }
0x57: {  	[sflag:s4] =	ssyncset.done $0x0  }
0x58: {  	s16 =	simm.s32 $0x260;
	s25 =	rddreg [dreg:$0x7];
	[sflag:s4] =	ssyncadd.s32 $0xFFFFFFE0  }
0x59: {  	[hbm4b:s25+s2] =	stream.linear.scatter [tilespmem:s16], [sflag:$0x2], $0x20, $0x38;
	[tilespmem:$0x420] =	vst v63  }
0x5a: {  	_ =	swait.ge [sflag:s4], $0x20  }
0x5b: {  	[sflag:s4] =	ssyncset.done $0x0  }
0x5c: {  	s17 =	simm.s32 $0x280;
	s26 =	rddreg [dreg:$0x8];
	[sflag:s4] =	ssyncadd.s32 $0xFFFFFFE0  }
0x5d: {  	[hbm4b:s26+s2] =	stream.linear.scatter [tilespmem:s17], [sflag:$0x2], $0x20, $0x38;
	[tilespmem:$0x420] =	vst v63  }
0x5e: {  	_ =	swait.ge [sflag:s4], $0x20  }
0x5f: {  	[sflag:s4] =	ssyncset.done $0x0  }
0x60: {  	s19 =	rddreg [dreg:$0x9];
	[sflag:s4] =	ssyncadd.s32 $0xFFFFFFE0  }
0x61: {  	[hbm4b:s19+s2] =	stream.linear.scatter [tilespmem:s10], [sflag:$0x2], $0x20, $0x38;
	[tilespmem:$0x420] =	vst v63  }
0x62: {  	_ =	swait.ge [sflag:s4], $0x20  }
0x63: {  	s31 =	simm.s32 $0x340;
	[sflag:s4] =	ssyncset.done $0x0  }
0x64: {  	s19 =	simm.s32 $0x2C0;
	s20 =	rddreg [dreg:$0xa];
	[sflag:s4] =	ssyncadd.s32 $0xFFFFFFE0  }
0x65: {  	[hbm4b:s20+s2] =	stream.linear.scatter [tilespmem:s19], [sflag:$0x2], $0x20, $0x38;
	[tilespmem:$0x420] =	vst v63  }
0x66: {  	s30 =	simm.s32 $0x360;
	s29 =	simm.s32 $0x380;
	_ =	swait.ge [sflag:s4], $0x20  }
0x67: {  	s28 =	simm.s32 $0x3C0;
	s23 =	simm.s32 $0x2E0;
	[sflag:s4] =	ssyncset.done $0x0  }
0x68: {  	s24 =	ssub.s32 $0x2, s18;
	s21 =	rddreg [dreg:$0xb];
	[sflag:s4] =	ssyncadd.s32 $0xFFFFFFE0  }
0x69: {  	[hbm4b:s21+s2] =	stream.linear.scatter [tilespmem:s23], [sflag:$0x2], $0x20, $0x38;
	[tilespmem:$0x420] =	vst v63  }
0x6a: {  	s18 =	sadd.s32 $0xB80, s0;
	s20 =	sshrl.u32 s24, $0x1;
	_ =	swait.ge [sflag:s4], $0x20  }
0x6b: {  	s26 =	simm.s32 $0x300;
	s1 =	ssub.s32 s24, s20;
	[sflag:s4] =	ssyncset.done $0x0  }
0x6c: {  	s1 =	smax.u32 s1, $0x1;
	s22 =	rddreg [dreg:$0xc];
	[sflag:s4] =	ssyncadd.s32 $0xFFFFFFE0  }
0x6d: {  	[hbm4b:s22+s2] =	stream.linear.scatter [tilespmem:s26], [sflag:$0x2], $0x20, $0x38;
	[tilespmem:$0x420] =	vst v63  }
0x6e: {  	s20 =	sadd.s32 $0xB00, s0;
	p0 =	sne.s32 s1, $0x1;
	_ =	swait.ge [sflag:s4], $0x20  }
.Ltmp0:
0x6f: {  	s24 =	simm.s32 $0x400;
	[sflag:s4] =	ssyncset.done $0x0;
	(pc) =	sbr.rel @!p0 .LBB2_2-.Ltmp0, $4  }
0x70: {  	s21 =	sadd.s32 $0xA80, s0;
	s25 =	rddreg [dreg:$0xd];
	[sflag:s4] =	ssyncadd.s32 $0xFFFFFFE0  }
0x71: {  	[hbm4b:s25+s2] =	stream.linear.scatter [tilespmem:s12], [sflag:$0x2], $0x20, $0x38;
	[tilespmem:$0x420] =	vst v63  }
0x72: {  	s22 =	sadd.s32 $0xA00, s0;
	s0 =	sadd.s32 $0xFFFFFFFF, s1;
	_ =	swait.ge [sflag:s4], $0x20  }
0x73: {  	s25 =	simm.s32 $0x3E0;
	[sflag:s4] =	ssyncset.done $0x0;
	s1 =	rddreg [dreg:$0xe]  }
.LBB2_1:
0x74: {  	[sflag:s4] =	ssyncadd.s32 $0xFFFFFFE0  }
0x75: {  	[hbm4b:s1+s2] =	stream.linear.scatter [tilespmem:s31], [sflag:$0x2], $0x20, $0x38;
	[tilespmem:$0x420] =	vst v63  }
0x76: {  	_ =	swait.ge [sflag:s4], $0x20  }
0x77: {  	[sflag:s4] =	ssyncset.done $0x0  }
0x78: {  	s1 =	rddreg [dreg:$0xf];
	[sflag:s4] =	ssyncadd.s32 $0xFFFFFFE0  }
0x79: {  	[hbm4b:s1+s2] =	stream.linear.scatter [tilespmem:s30], [sflag:$0x2], $0x20, $0x38;
	[tilespmem:$0x420] =	vst v63  }
0x7a: {  	_ =	swait.ge [sflag:s4], $0x20  }
0x7b: {  	[sflag:s4] =	ssyncset.done $0x0  }
0x7c: {  	s1 =	rddreg [dreg:$0x10];
	[sflag:s4] =	ssyncadd.s32 $0xFFFFFFE0  }
0x7d: {  	[hbm4b:s1+s2] =	stream.linear.scatter [tilespmem:s29], [sflag:$0x2], $0x20, $0x38;
	[tilespmem:$0x420] =	vst v63  }
0x7e: {  	_ =	swait.ge [sflag:s4], $0x20  }
0x7f: {  	[sflag:s4] =	ssyncset.done $0x0  }
0x80: {  	[sflag:s4] =	ssyncadd.s32 $0xFFFFFFE0  }
0x81: {  	[hbm4b:s22+s2] =	stream.linear.scatter [tilespmem:s5], [sflag:$0x2], $0x20, $0x38;
	[tilespmem:$0x420] =	vst v63  }
0x82: {  	_ =	swait.ge [sflag:s4], $0x20  }
0x83: {  	[sflag:s4] =	ssyncset.done $0x0  }
0x84: {  	[sflag:s4] =	ssyncadd.s32 $0xFFFFFFE0  }
0x85: {  	[hbm4b:s21+s2] =	stream.linear.scatter [tilespmem:s28], [sflag:$0x2], $0x20, $0x38;
	[tilespmem:$0x420] =	vst v63  }
0x86: {  	_ =	swait.ge [sflag:s4], $0x20  }
0x87: {  	[sflag:s4] =	ssyncset.done $0x0  }
0x88: {  	[sflag:s4] =	ssyncadd.s32 $0xFFFFFFE0  }
0x89: {  	[hbm4b:s20+s2] =	stream.linear.scatter [tilespmem:s25], [sflag:$0x2], $0x20, $0x38;
	[tilespmem:$0x420] =	vst v63  }
0x8a: {  	_ =	swait.ge [sflag:s4], $0x20  }
0x8b: {  	[sflag:s4] =	ssyncset.done $0x0  }
0x8c: {  	[sflag:s4] =	ssyncadd.s32 $0xFFFFFFE0  }
0x8d: {  	[hbm4b:s18+s2] =	stream.linear.scatter [tilespmem:s24], [sflag:$0x2], $0x20, $0x38;
	[tilespmem:$0x420] =	vst v63  }
0x8e: {  	_ =	swait.ge [sflag:s4], $0x20  }
0x8f: {  	[sflag:s4] =	ssyncset.done $0x0  }
0x90: {  	s1 =	rddreg [dreg:$0x4];
	[sflag:s4] =	ssyncadd.s32 $0xFFFFFFE0  }
0x91: {  	[tilespmem:s2], [sflag:$0x2] =	stream.linear.gather [hbm4b:s1+s2], $0x20, $0x38;
	[tilespmem:$0x420] =	vst v63  }
0x92: {  	_ =	swait.ge [sflag:s4], $0x20  }
0x93: {  	[sflag:s4] =	ssyncset.done $0x0  }
0x94: {  	[sflag:s4] =	ssyncadd.s32 $0xFFFFFFE0  }
0x95: {  	v0 =	vld [tilespmem:$0x0]  }
0x96: {  	v1 =	vld [tilespmem:$0x10]  }
0x97: {  	v61 =	vld [tilespmem:$0x10]  }
0x98: {  	v2 =	vld [tilespmem:$0x0]  }
0x99: {  	v3 =	vld [tilespmem:$0x10]  }
0x9a: {  	v4 =	vld [tilespmem:$0x0]  }
0x9b: {  	v5 =	vld [tilespmem:$0x10];
	[tilespmem:$0x20] =	vst v0  }
0x9c: {  	v32 =	vld [tilespmem:$0x0];
	v1 =	vadd.s32 $0x155CC0, v1;
	[tilespmem:$0x30] =	vst v61  }
0x9d: {  	v6 =	vld [tilespmem:$0x0];
	v33 =	vadd.s32 $0x16E360, v2;
	[tilespmem:$0x1F0] =	vst v1  }
0x9e: {  	v35 =	vld [tilespmem:$0x10];
	v34 =	vadd.s32 $0xF4240, v3;
	[tilespmem:$0x200] =	vst v33  }
0x9f: {  	v38 =	vld [tilespmem:$0x10];
	v37 =	vadd.s32 $0x155CC0, v4;
	[tilespmem:$0x170] =	vst v34  }
0xa0: {  	v39 =	vld [tilespmem:$0x0];
	v5 =	vadd.s32 $0x13D620, v5;
	[tilespmem:$0x1E0] =	vst v37  }
0xa1: {  	v44 =	vld [tilespmem:$0x10];
	v0 =	vadd.s32 $0x13D620, v32;
	[tilespmem:$0x1D0] =	vst v5  }
0xa2: {  	v48 =	vld [tilespmem:$0x10];
	v6 =	vadd.s32 $0x124F80, v6;
	[tilespmem:$0x1C0] =	vst v0  }
0xa3: {  	v58 =	vld [tilespmem:$0x10];
	v3 =	vadd.s32 $0x10C8E0, v35;
	[tilespmem:$0x1A0] =	vst v6  }
0xa4: {  	v60 =	vld [tilespmem:$0x10];
	v43 =	vadd.s32 $0x927C0, v38;
	[tilespmem:$0x190] =	vst v3  }
0xa5: {  	v36 =	vld [tilespmem:$0x0];
	v2 =	vadd.s32 $0xF4240, v39;
	[tilespmem:$0xF0] =	vst v43  }
0xa6: {  	v40 =	vld [tilespmem:$0x10];
	v4 =	vadd.s32 $0xAAE60, v44;
	[tilespmem:$0x160] =	vst v2  }
0xa7: {  	v41 =	vld [tilespmem:$0x0];
	v53 =	vadd.s32 $0x7A120, v48;
	[tilespmem:$0x110] =	vst v4  }
0xa8: {  	v42 =	vld [tilespmem:$0x0];
	v62 =	vadd.s32 $0x124F80, v58;
	[tilespmem:$0xD0] =	vst v53  }
0xa9: {  	v46 =	vld [tilespmem:$0x10];
	v63 =	vadd.s32 $0x61A80, v60;
	[tilespmem:$0x1B0] =	vst v62  }
0xaa: {  	v47 =	vld [tilespmem:$0x0];
	v1 =	vadd.s32 $0x10C8E0, v36;
	[tilespmem:$0xB0] =	vst v63  }
0xab: {  	v51 =	vld [tilespmem:$0x10];
	v5 =	vadd.s32 $0xDBBA0, v40;
	[tilespmem:$0x180] =	vst v1  }
0xac: {  	v45 =	vld [tilespmem:$0x0];
	v0 =	vadd.s32 $0xDBBA0, v41;
	[tilespmem:$0x150] =	vst v5  }
0xad: {  	v49 =	vld [tilespmem:$0x0];
	v6 =	vadd.s32 $0xC3500, v42;
	[tilespmem:$0x140] =	vst v0  }
0xae: {  	v50 =	vld [tilespmem:$0x0];
	v3 =	vadd.s32 $0x30D40, v46;
	[tilespmem:$0x120] =	vst v6  }
0xaf: {  	v54 =	vld [tilespmem:$0x10];
	v2 =	vadd.s32 $0x927C0, v47;
	[tilespmem:$0x70] =	vst v3  }
0xb0: {  	v55 =	vld [tilespmem:$0x0];
	v4 =	vadd.s32 $0x493E0, v51;
	[tilespmem:$0xE0] =	vst v2  }
0xb1: {  	v56 =	vld [tilespmem:$0x10];
	v1 =	vadd.s32 $0xAAE60, v45;
	[tilespmem:$0x90] =	vst v4  }
0xb2: {  	v52 =	vld [tilespmem:$0x0];
	v0 =	vadd.s32 $0x7A120, v49;
	[tilespmem:$0x100] =	vst v1  }
0xb3: {  	v57 =	vld [tilespmem:$0x0];
	v6 =	vadd.s32 $0x61A80, v50;
	[tilespmem:$0xC0] =	vst v0  }
0xb4: {  	v59 =	vld [tilespmem:$0x10];
	v2 =	vadd.s32 $0x16E360, v54;
	[tilespmem:$0xA0] =	vst v6  }
0xb5: {  	v5 =	vadd.s32 $0x30D40, v55;
	[tilespmem:$0x210] =	vst v2  }
0xb6: {  	v3 =	vadd.s32 $0x186A0, v56;
	[tilespmem:$0x60] =	vst v5  }
0xb7: {  	v1 =	vadd.s32 $0x493E0, v52;
	[tilespmem:$0x50] =	vst v3  }
0xb8: {  	v0 =	vadd.s32 $0x186A0, v57;
	[tilespmem:$0x80] =	vst v1  }
0xb9: {  	[tilespmem:$0x40] =	vst v0;
	v1 =	vadd.s32 $0xC3500, v59  }
0xba: {  	[tilespmem:$0x130] =	vst v1  }
0xbb: {  	[tilespmem:s8], [sflag:$0x1] =	stream.indirect.gather [hbm4b:s3+s6], $0x1, s7, s6, $0xb8;
	[tilespmem:$0x420] =	vst v63  }
0xbc: {  	_ = 	snop  }
0xbd: {  	[tilespmem:s10], [sflag:$0x1] =	stream.indirect.gather [hbm4b:s3+s6], $0x1, s9, s6, $0xb8;
	[tilespmem:$0x420] =	vst v63  }
0xbe: {  	_ = 	snop  }
0xbf: {  	[tilespmem:s12], [sflag:$0x1] =	stream.indirect.gather [hbm4b:s3+s6], $0x1, s11, s6, $0xb8;
	[tilespmem:$0x420] =	vst v63  }
0xc0: {  	_ = 	snop  }
0xc1: {  	[tilespmem:s5], [sflag:$0x1] =	stream.indirect.gather [hbm4b:s3+s6], $0x1, s13, s6, $0xb8;
	[tilespmem:$0x420] =	vst v63  }
0xc2: {  	_ =	swait.ge [sflag:s14], $0x80  }
0xc3: {  	[sflag:s14] =	ssyncset.done $0x0  }
0xc4: {  	[sflag:s14] =	ssyncadd.s32 $0xFFFFFF80  }
0xc5: {  	_ =	swait.ge [sflag:s14], $0x80  }
0xc6: {  	[sflag:s14] =	ssyncset.done $0x0  }
0xc7: {  	[sflag:s14] =	ssyncadd.s32 $0xFFFFFF80  }
0xc8: {  	_ =	swait.ge [sflag:s14], $0x80  }
0xc9: {  	[sflag:s14] =	ssyncset.done $0x0  }
0xca: {  	[sflag:s14] =	ssyncadd.s32 $0xFFFFFF80  }
0xcb: {  	_ =	swait.ge [sflag:s14], $0x80  }
0xcc: {  	[sflag:s14] =	ssyncset.done $0x0  }
0xcd: {  	s1 =	rddreg [dreg:$0x5];
	[sflag:s14] =	ssyncadd.s32 $0xFFFFFF80  }
0xce: {  	[hbm4b:s1+s2] =	stream.linear.scatter [tilespmem:s8], [sflag:$0x2], $0x20, $0x38;
	[tilespmem:$0x420] =	vst v63  }
0xcf: {  	_ =	swait.ge [sflag:s4], $0x20  }
0xd0: {  	[sflag:s4] =	ssyncset.done $0x0  }
0xd1: {  	s1 =	rddreg [dreg:$0x6];
	[sflag:s4] =	ssyncadd.s32 $0xFFFFFFE0  }
0xd2: {  	[hbm4b:s1+s2] =	stream.linear.scatter [tilespmem:s15], [sflag:$0x2], $0x20, $0x38;
	[tilespmem:$0x420] =	vst v63  }
0xd3: {  	_ =	swait.ge [sflag:s4], $0x20  }
0xd4: {  	[sflag:s4] =	ssyncset.done $0x0  }
0xd5: {  	s1 =	rddreg [dreg:$0x7];
	[sflag:s4] =	ssyncadd.s32 $0xFFFFFFE0  }
0xd6: {  	[hbm4b:s1+s2] =	stream.linear.scatter [tilespmem:s16], [sflag:$0x2], $0x20, $0x38;
	[tilespmem:$0x420] =	vst v63  }
0xd7: {  	_ =	swait.ge [sflag:s4], $0x20  }
0xd8: {  	[sflag:s4] =	ssyncset.done $0x0  }
0xd9: {  	s1 =	rddreg [dreg:$0x8];
	[sflag:s4] =	ssyncadd.s32 $0xFFFFFFE0  }
0xda: {  	[hbm4b:s1+s2] =	stream.linear.scatter [tilespmem:s17], [sflag:$0x2], $0x20, $0x38;
	[tilespmem:$0x420] =	vst v63  }
0xdb: {  	_ =	swait.ge [sflag:s4], $0x20  }
0xdc: {  	[sflag:s4] =	ssyncset.done $0x0  }
0xdd: {  	s1 =	rddreg [dreg:$0x9];
	[sflag:s4] =	ssyncadd.s32 $0xFFFFFFE0  }
0xde: {  	[hbm4b:s1+s2] =	stream.linear.scatter [tilespmem:s10], [sflag:$0x2], $0x20, $0x38;
	[tilespmem:$0x420] =	vst v63  }
0xdf: {  	_ =	swait.ge [sflag:s4], $0x20  }
0xe0: {  	[sflag:s4] =	ssyncset.done $0x0  }
0xe1: {  	s1 =	rddreg [dreg:$0xa];
	[sflag:s4] =	ssyncadd.s32 $0xFFFFFFE0  }
0xe2: {  	[hbm4b:s1+s2] =	stream.linear.scatter [tilespmem:s19], [sflag:$0x2], $0x20, $0x38;
	[tilespmem:$0x420] =	vst v63  }
0xe3: {  	_ =	swait.ge [sflag:s4], $0x20  }
0xe4: {  	[sflag:s4] =	ssyncset.done $0x0  }
0xe5: {  	s1 =	rddreg [dreg:$0xb];
	[sflag:s4] =	ssyncadd.s32 $0xFFFFFFE0  }
0xe6: {  	[hbm4b:s1+s2] =	stream.linear.scatter [tilespmem:s23], [sflag:$0x2], $0x20, $0x38;
	[tilespmem:$0x420] =	vst v63  }
0xe7: {  	_ =	swait.ge [sflag:s4], $0x20  }
0xe8: {  	[sflag:s4] =	ssyncset.done $0x0  }
0xe9: {  	s1 =	rddreg [dreg:$0xc];
	[sflag:s4] =	ssyncadd.s32 $0xFFFFFFE0  }
0xea: {  	[hbm4b:s1+s2] =	stream.linear.scatter [tilespmem:s26], [sflag:$0x2], $0x20, $0x38;
	[tilespmem:$0x420] =	vst v63  }
0xeb: {  	p0 =	sne.s32 s0, $0x1;
	_ =	swait.ge [sflag:s4], $0x20  }
.Ltmp1:
0xec: {  	[sflag:s4] =	ssyncset.done $0x0;
	(pc) =	sbr.rel @p0 .LBB2_1-.Ltmp1, $4  }
0xed: {  	s1 =	rddreg [dreg:$0xd];
	[sflag:s4] =	ssyncadd.s32 $0xFFFFFFE0  }
0xee: {  	[hbm4b:s1+s2] =	stream.linear.scatter [tilespmem:s12], [sflag:$0x2], $0x20, $0x38;
	[tilespmem:$0x420] =	vst v63  }
0xef: {  	_ =	swait.ge [sflag:s4], $0x20  }
0xf0: {  	s0 =	sadd.s32 $0xFFFFFFFF, s0;
	[sflag:s4] =	ssyncset.done $0x0;
	s1 =	rddreg [dreg:$0xe]  }
.LBB2_2:
0xf1: {  	[sflag:s4] =	ssyncadd.s32 $0xFFFFFFE0  }
0xf2: {  	[hbm4b:s1+s2] =	stream.linear.scatter [tilespmem:s31], [sflag:$0x2], $0x20, $0x38;
	[tilespmem:$0x420] =	vst v63  }
0xf3: {  	_ =	swait.ge [sflag:s4], $0x20  }
0xf4: {  	[sflag:s4] =	ssyncset.done $0x0  }
0xf5: {  	s0 =	rddreg [dreg:$0xf];
	[sflag:s4] =	ssyncadd.s32 $0xFFFFFFE0  }
0xf6: {  	[hbm4b:s0+s2] =	stream.linear.scatter [tilespmem:s30], [sflag:$0x2], $0x20, $0x38;
	[tilespmem:$0x420] =	vst v63  }
0xf7: {  	_ =	swait.ge [sflag:s4], $0x20  }
0xf8: {  	[sflag:s4] =	ssyncset.done $0x0  }
0xf9: {  	s30 =	rddreg [dreg:$0x10];
	[sflag:s4] =	ssyncadd.s32 $0xFFFFFFE0  }
0xfa: {  	[hbm4b:s30+s2] =	stream.linear.scatter [tilespmem:s29], [sflag:$0x2], $0x20, $0x38;
	[tilespmem:$0x420] =	vst v63  }
0xfb: {  	_ =	swait.ge [sflag:s4], $0x20  }
0xfc: {  	[sflag:s4] =	ssyncset.done $0x0  }
0xfd: {  	[sflag:s4] =	ssyncadd.s32 $0xFFFFFFE0  }
0xfe: {  	[hbm4b:s22+s2] =	stream.linear.scatter [tilespmem:s5], [sflag:$0x2], $0x20, $0x38;
	[tilespmem:$0x420] =	vst v63  }
0xff: {  	_ =	swait.ge [sflag:s4], $0x20  }
0x100: {  	[sflag:s4] =	ssyncset.done $0x0  }
0x101: {  	[sflag:s4] =	ssyncadd.s32 $0xFFFFFFE0  }
0x102: {  	[hbm4b:s21+s2] =	stream.linear.scatter [tilespmem:s28], [sflag:$0x2], $0x20, $0x38;
	[tilespmem:$0x420] =	vst v63  }
0x103: {  	_ =	swait.ge [sflag:s4], $0x20  }
0x104: {  	[sflag:s4] =	ssyncset.done $0x0  }
0x105: {  	[sflag:s4] =	ssyncadd.s32 $0xFFFFFFE0  }
0x106: {  	[hbm4b:s20+s2] =	stream.linear.scatter [tilespmem:s25], [sflag:$0x2], $0x20, $0x38;
	[tilespmem:$0x420] =	vst v63  }
0x107: {  	_ =	swait.ge [sflag:s4], $0x20  }
0x108: {  	[sflag:s4] =	ssyncset.done $0x0  }
0x109: {  	[sflag:s4] =	ssyncadd.s32 $0xFFFFFFE0  }
0x10a: {  	[hbm4b:s18+s2] =	stream.linear.scatter [tilespmem:s24], [sflag:$0x2], $0x20, $0x38;
	[tilespmem:$0x420] =	vst v63  }
0x10b: {  	_ =	swait.ge [sflag:s4], $0x20  }
0x10c: {  	[sflag:s4] =	ssyncset.done $0x0  }
0x10d: {  	[sflag:s4] =	ssyncadd.s32 $0xFFFFFFE0  }
0x10e: {  	_ =	sfence.sel $0x180000  }
0x10f: {  	[bflag:$0x0] =	sbarrier.arrive $0xFFFF  }
0x110: {  	_ =	strace $0x90000047  }
0x111: {  	s31 =	stileid.u32;
	[bflag:$0x2] =	sbarrier.arrive $0xFFFF  }
0x112: {  	p0 =	sne.s32 s31, $0x0;
	s0 =	rddreg [dreg:$0x3]  }
0x113: {  	s0 =	sadd.s32 @!p0 $0x100000, s0  }
0x114: {  	[sflag:s0] =	ssyncadd.tile.s32 @!p0 $0x1;
	_ =	shalt  }
.Lfunc_end2:
_tile_overlayer_lowered:
.L_overlay_start_2:
0x115: {  	(tag) =	ssettag $0x2  }
0x116: {  	s0 =	rddreg [dreg:$0x0];
	s2 =	stileid.u32  }
0x117: {  	s1 =	rddreg [dreg:$0x1];
	p0 =	sne.s32 s2, $0x0  }
0x118: {  	s3 =	rddreg [dreg:$0x2];
	[bflag:$0x3] =	sbarrier.arrive $0xFFFF;
	s2 =	simm.s32 @!p0 $0x1C02  }
0x119: {  	[timem:s3], [sflag:s2] =	dma.local @!p0 [hbm:s0], s1  }
0x11a: {  	s0 =	simm.s32 @!p0 $0x2  }
0x11b: {  	_ =	swait.ge @!p0 [sflag:s0], s1  }
0x11c: {  	s1 =	ssub.s32 @!p0 $0x0, s1;
	[sflag:s0] =	ssyncset.done @!p0 $0x0  }
0x11d: {  	[sflag:s0] =	ssyncadd.s32 @!p0 s1  }
0x11e: {  	[bflag:$0x3] =	sbarrier.arrive $0xFFFF  }
0x11f: {  	_ =	shalt  }

</sc_bundles>
